<compile_context>
chip_gen: v7x
topology: tpu7x:2x2x1
jax: 0.10.2.dev20260603
libtpu: 0.0.44.dev20260713+nightly
codegen_flags: <defaults>
</compile_context>

<pallas_src>
import functools

import jax
import jax.numpy as jnp
from jax import lax
from jax.experimental import pallas as pl
from jax.experimental.pallas import tpu as pltpu
from jax.experimental.pallas import tpu_sc as plsc

N = 100000
D = 128
B = 256
NCLS = 7
K = B * NCLS
CH = 80
NCHUNK = N // CH
NW = 32
KBASE = NCHUNK // NW
KEXTRA = NCHUNK - KBASE * NW
KMAX = KBASE + 1
NB = 4
ROWS_PT = K // 16
HCH = 2500
NHCH = N // HCH

_mesh = plsc.VectorSubcoreMesh(core_axis_name="c", subcore_axis_name="s")


@functools.partial(
    pl.kernel,
    mesh=_mesh,
    out_type=jax.ShapeDtypeStruct((2, K, D), jnp.float32),
    scratch_types=[
        pltpu.VMEM((KMAX, CH), jnp.int32),
        pltpu.VMEM((KMAX * CH,), jnp.int32),
        pltpu.VMEM((KMAX * CH,), jnp.int32),
        pltpu.VMEM((NB, CH, D), jnp.float32),
        pltpu.VMEM((16, D), jnp.float32),
        pltpu.VMEM_SHARED((K, D), jnp.float32),
        pltpu.SemaphoreType.DMA,
        pltpu.SemaphoreType.DMA,
        pltpu.SemaphoreType.DMA,
        pltpu.SemaphoreType.DMA,
    ],
)
def _sc_scatter(h_hbm, seg_hbm, pos_hbm, tab_out,
                keys_v, seg_v, pos_v, ring_v, zero_v, table_sh,
                sem0, sem1, sem2, sem3):
    cid = lax.axis_index("c")
    sid = lax.axis_index("s")
    wid = sid * 2 + cid
    start = wid * KBASE + jnp.minimum(wid, KEXTRA)
    cnt = KBASE + (wid < KEXTRA).astype(jnp.int32)
    row0 = start * CH
    sems = (sem0, sem1, sem2, sem3)

    def load(kk, b):
        pltpu.make_async_copy(
            h_hbm.at[pl.ds((start + kk) * CH, CH)], ring_v.at[b], sems[b]
        ).start()

    for b in range(NB):
        @pl.when(b < cnt)
        def _(b=b):
            load(b, b)

    pltpu.sync_copy(seg_hbm.at[pl.ds(row0, KBASE * CH)],
                    seg_v.at[pl.ds(0, KBASE * CH)])
    pltpu.sync_copy(pos_hbm.at[pl.ds(row0, KBASE * CH)],
                    pos_v.at[pl.ds(0, KBASE * CH)])

    @pl.when(wid < KEXTRA)
    def _():
        pltpu.sync_copy(seg_hbm.at[pl.ds(row0 + KBASE * CH, CH)],
                        seg_v.at[pl.ds(KBASE * CH, CH)])
        pltpu.sync_copy(pos_hbm.at[pl.ds(row0 + KBASE * CH, CH)],
                        pos_v.at[pl.ds(KBASE * CH, CH)])

    nv = CH // 16

    def fill_keys(i, _):
        sl = pl.ds(i * 16, 16)
        keys_v[i // nv, pl.ds((i % nv) * 16, 16)] = (
            seg_v[sl] * NCLS + pos_v[sl])
        return 0
    lax.fori_loop(0, KBASE * CH // 16, fill_keys, 0)

    @pl.when(wid < KEXTRA)
    def _():
        def fill_tail(i, _):
            sl = pl.ds(KBASE * CH + i * 16, 16)
            keys_v[KBASE, pl.ds(i * 16, 16)] = seg_v[sl] * NCLS + pos_v[sl]
            return 0
        lax.fori_loop(0, nv, fill_tail, 0)

    z16 = jnp.zeros((16,), jnp.float32)

    def fill_zero(i, _):
        zero_v[i // 8, pl.ds((i % 8) * 16, 16)] = z16
        return 0
    lax.fori_loop(0, 16 * (D // 16), fill_zero, 0)

    for j in range(ROWS_PT // 16):
        pltpu.sync_copy(zero_v, table_sh.at[pl.ds(sid * ROWS_PT + j * 16, 16)])
    plsc.subcore_barrier()

    def wait_load(b):
        pltpu.make_async_copy(
            h_hbm.at[pl.ds(0, CH)], ring_v.at[b], sems[b]
        ).wait()

    def outer(o, _):
        for b in range(NB):
            kk = o * NB + b

            @pl.when(kk < cnt)
            def _(b=b, kk=kk):
                wait_load(b)
                pltpu.sync_copy(ring_v.at[b], table_sh.at[keys_v.at[kk]],
                                add=True)

                @pl.when(kk + NB < cnt)
                def _(b=b, kk=kk):
                    load(kk + NB, b)
        return 0
    lax.fori_loop(0, KMAX // NB, outer, 0)
    plsc.subcore_barrier()

    pltpu.sync_copy(table_sh.at[pl.ds(sid * ROWS_PT, ROWS_PT)],
                    tab_out.at[cid, pl.ds(sid * ROWS_PT, ROWS_PT)])


def _hist_body(seg_ref, cnt_ref):
    i = pl.program_id(0)

    @pl.when(i == 0)
    def _():
        cnt_ref[:, :] = jnp.zeros((B, 128), jnp.float32)

    row = seg_ref[0]
    ids = lax.broadcasted_iota(jnp.int32, (B, HCH), 0)
    eq = (row == ids).astype(jnp.float32)
    s = jnp.sum(eq, axis=1, keepdims=True)
    cnt_ref[:, :] += jnp.broadcast_to(s, (B, 128))


def _finalize_body(t0_ref, t1_ref, cnt_ref, o_ref):
    norm = jnp.maximum(cnt_ref[:, 0:1], 1.0)
    o_ref[:, :] = (t0_ref[:, :] + t1_ref[:, :]) / norm


@jax.jit
def _run(h, seg32, pos32):
    tab = _sc_scatter(h, seg32, pos32)

    seg3d = seg32.reshape(NHCH, 1, HCH)
    counts = pl.pallas_call(
        _hist_body,
        grid=(NHCH,),
        in_specs=[pl.BlockSpec((1, 1, HCH), lambda i: (i, 0, 0))],
        out_specs=pl.BlockSpec((B, 128), lambda i: (0, 0)),
        out_shape=jax.ShapeDtypeStruct((B, 128), jnp.float32),
    )(seg3d)

    t0 = tab[0].reshape(B, NCLS * D)
    t1 = tab[1].reshape(B, NCLS * D)
    return pl.pallas_call(
        _finalize_body,
        out_shape=jax.ShapeDtypeStruct((B, NCLS * D), jnp.float32),
    )(t0, t1, counts)


def kernel(h, pos, segment_ids, num_segments):
    del num_segments
    return _run(h, segment_ids.astype(jnp.int32), pos.astype(jnp.int32))

# --- scband reference (transcript-rebuilt; emitter-appended) ---
"""Pipeline reference for scband-concat-edge-readout-44298292691011 (READ-ONLY COPY).

The authoritative reference and input builder live on the scoring server;
editing this copy changes nothing except your own understanding.
"""

import jax, jax.numpy as jnp
import numpy as np

N = 100000
D = 128
B = 256

def setup_inputs(seed: int = 0) -> dict:
    key = jax.random.key(seed)
    k1, k2, k3 = jax.random.split(key, 3)
    h = jax.random.normal(k1, (N, D), dtype=jnp.float32)
    pos = jax.random.randint(k2, (N,), 0, 7, dtype=jnp.int64)
    segment_ids = jnp.sort(jax.random.randint(k3, (N,), 0, B, dtype=jnp.int64))
    return {"h": h, "pos": pos, "segment_ids": segment_ids, "num_segments": B}

def reference(h, pos, segment_ids, num_segments):
    # DGL batched-graph readout rewrite.
    # batch_num_nodes -> per-graph node counts (the 'normalizer').
    num_segments = jnp.asarray(num_segments)
    seg = segment_ids + (num_segments - num_segments).astype(segment_ids.dtype)
    counts = jax.ops.segment_sum(jnp.ones((h.shape[0],), dtype=jnp.float32),
                                 seg, num_segments=B)
    normalizer = jnp.maximum(counts, 1.0)[:, None]  # [B, 1]
    embeds = []
    # Classes 0,2,3,4,6: sum_nodes(g,'h',mask) / normalizer.
    # Classes 1,5: dgl.mean_nodes(g,'h',mask) = sum(mask*h)/num_nodes, i.e. identical math.
    for c in range(7):
        mask = (pos == c).astype(jnp.float32)[:, None]        # [N, 1]
        s = jax.ops.segment_sum(h * mask, seg,
                                num_segments=B)                # [B, D]
        embeds.append(s / normalizer)
    return jnp.concatenate(embeds, axis=1)  # [B, 7*D]

if __name__ == "__main__":
    import jax
    _d = setup_inputs()
    print(jax.jit(kernel)(*tuple(_d.values())))

</pallas_src>

<mosaic_0001>
#map = affine_map<(d0, d1) -> (0, 0)>
#map1 = affine_map<(d0, d1) -> (0)>
#map2 = affine_map<(d0, d1) -> (0, 0, 0)>
module attributes {stable_mosaic.version = 14 : i64} {
  func.func @_sc_scatter(%arg0: i32, %arg1: i32, %arg2: memref<100000x128xf32, #tpu.memory_space<hbm>>, %arg3: memref<100000xi32, #tpu.memory_space<hbm>>, %arg4: memref<100000xi32, #tpu.memory_space<hbm>>, %arg5: memref<2x1792x128xf32, #tpu.memory_space<hbm>>, %arg6: memref<40x80xi32, #tpu.memory_space<vmem>>, %arg7: memref<3200xi32, #tpu.memory_space<vmem>>, %arg8: memref<3200xi32, #tpu.memory_space<vmem>>, %arg9: memref<4x80x128xf32, #tpu.memory_space<vmem>>, %arg10: memref<16x128xf32, #tpu.memory_space<vmem>>, %arg11: memref<1792x128xf32, #tpu.memory_space<vmem_shared>>, %arg12: memref<!tpu.dma_semaphore, #tpu.memory_space<semaphore_mem>>, %arg13: memref<!tpu.dma_semaphore, #tpu.memory_space<semaphore_mem>>, %arg14: memref<!tpu.dma_semaphore, #tpu.memory_space<semaphore_mem>>, %arg15: memref<!tpu.dma_semaphore, #tpu.memory_space<semaphore_mem>>) attributes {dimension_semantics = [#tpu.dimension_semantics<core_parallel>, #tpu.dimension_semantics<subcore_parallel>], iteration_bounds = array<i64: 2, 16>, scalar_prefetch = 0 : i64, scratch_operands = 10 : i64, tpu.core_type = #tpu.core_type<sc_vector_subcore>, window_params = [{transform_indices = #map}, {transform_indices = #map1}, {transform_indices = #map1}, {transform_indices = #map2}]} {
    %mul3A = arith.constant 2 : i32
    %mul3A_0 = arith.muli %arg1, %mul3A : i32
    %add3A = arith.addi %mul3A_0, %arg0 : i32
    %mul3A_1 = arith.constant 39 : i32
    %mul3A_2 = arith.muli %add3A, %mul3A_1 : i32
    %min3A = arith.constant 2 : i32
    %min3A_3 = arith.minsi %add3A, %min3A : i32
    %add3A_4 = arith.addi %mul3A_2, %min3A_3 : i32
    %lt3A = arith.constant 2 : i32
    %lt3A_5 = arith.cmpi slt, %add3A, %lt3A : i32
    %convert_element_type3A = arith.extui %lt3A_5 : i1 to i32
    %add3A_6 = arith.constant 39 : i32
    %add3A_7 = arith.addi %add3A_6, %convert_element_type3A : i32
    %mul3A_8 = arith.constant 80 : i32
    %mul3A_9 = arith.muli %add3A_4, %mul3A_8 : i32
    %gt3A = arith.constant 0 : i32
    %gt3A_10 = arith.cmpi sgt, %add3A_7, %gt3A : i32
    %convert_element_type3A_11 = arith.extui %gt3A_10 : i1 to i32
    %cond3A = arith.constant 0 : i32
    %cond3A_12 = arith.cmpi ne, %convert_element_type3A_11, %cond3A : i32
    scf.if %cond3A_12 {
      %add3A_92 = arith.constant 0 : i32
      %add3A_93 = arith.addi %add3A_4, %add3A_92 : i32
      %mul3A_94 = arith.constant 80 : i32
      %mul3A_95 = arith.muli %add3A_93, %mul3A_94 : i32
      %dma_start3A = arith.constant 0 : i32
      %dma_start3A_96 = arith.constant 0 : i32
      %dma_start3A_97 = arith.constant 0 : i32
      %dma_start3A_98 = tpu.memref_slice %arg9[%dma_start3A, %dma_start3A_96, %dma_start3A_97] : memref<4x80x128xf32, #tpu.memory_space<vmem>> -> memref<1x80x128xf32, #tpu.memory_space<vmem>>
      %dma_start3A_99 = tpu.memref_squeeze %dma_start3A_98 : memref<1x80x128xf32, #tpu.memory_space<vmem>> -> memref<80x128xf32, #tpu.memory_space<vmem>>
      %dma_start3A_100 = arith.constant 0 : i32
      %dma_start3A_101 = tpu.memref_slice %arg2[%mul3A_95, %dma_start3A_100] : memref<100000x128xf32, #tpu.memory_space<hbm>> -> memref<80x128xf32, #tpu.memory_space<hbm>>
      %dma_start3A_102 = arith.constant 0 : i32
      %dma_start3A_103 = arith.constant 0 : i32
      %dma_start3A_104 = tpu.memref_slice %arg9[%dma_start3A, %dma_start3A_102, %dma_start3A_103] : memref<4x80x128xf32, #tpu.memory_space<vmem>> -> memref<1x80x128xf32, #tpu.memory_space<vmem>>
      %dma_start3A_105 = tpu.memref_squeeze %dma_start3A_104 : memref<1x80x128xf32, #tpu.memory_space<vmem>> -> memref<80x128xf32, #tpu.memory_space<vmem>>
      %dma_start3A_106 = arith.constant 0 : i32
      %dma_start3A_107 = tpu.memref_slice %arg2[%mul3A_95, %dma_start3A_106] : memref<100000x128xf32, #tpu.memory_space<hbm>> -> memref<80x128xf32, #tpu.memory_space<hbm>>
      tpu.enqueue_dma source(%dma_start3A_107 : memref<80x128xf32, #tpu.memory_space<hbm>>) target(%dma_start3A_105 : memref<80x128xf32, #tpu.memory_space<vmem>>) target_semaphore(%arg12 : memref<!tpu.dma_semaphore, #tpu.memory_space<semaphore_mem>>)
    } else {
    }
    %gt3A_13 = arith.constant 1 : i32
    %gt3A_14 = arith.cmpi sgt, %add3A_7, %gt3A_13 : i32
    %convert_element_type3A_15 = arith.extui %gt3A_14 : i1 to i32
    %cond3A_16 = arith.constant 0 : i32
    %cond3A_17 = arith.cmpi ne, %convert_element_type3A_15, %cond3A_16 : i32
    scf.if %cond3A_17 {
      %add3A_92 = arith.constant 1 : i32
      %add3A_93 = arith.addi %add3A_4, %add3A_92 : i32
      %mul3A_94 = arith.constant 80 : i32
      %mul3A_95 = arith.muli %add3A_93, %mul3A_94 : i32
      %dma_start3A = arith.constant 1 : i32
      %dma_start3A_96 = arith.constant 0 : i32
      %dma_start3A_97 = arith.constant 0 : i32
      %dma_start3A_98 = tpu.memref_slice %arg9[%dma_start3A, %dma_start3A_96, %dma_start3A_97] : memref<4x80x128xf32, #tpu.memory_space<vmem>> -> memref<1x80x128xf32, #tpu.memory_space<vmem>>
      %dma_start3A_99 = tpu.memref_squeeze %dma_start3A_98 : memref<1x80x128xf32, #tpu.memory_space<vmem>> -> memref<80x128xf32, #tpu.memory_space<vmem>>
      %dma_start3A_100 = arith.constant 0 : i32
      %dma_start3A_101 = tpu.memref_slice %arg2[%mul3A_95, %dma_start3A_100] : memref<100000x128xf32, #tpu.memory_space<hbm>> -> memref<80x128xf32, #tpu.memory_space<hbm>>
      %dma_start3A_102 = arith.constant 0 : i32
      %dma_start3A_103 = arith.constant 0 : i32
      %dma_start3A_104 = tpu.memref_slice %arg9[%dma_start3A, %dma_start3A_102, %dma_start3A_103] : memref<4x80x128xf32, #tpu.memory_space<vmem>> -> memref<1x80x128xf32, #tpu.memory_space<vmem>>
      %dma_start3A_105 = tpu.memref_squeeze %dma_start3A_104 : memref<1x80x128xf32, #tpu.memory_space<vmem>> -> memref<80x128xf32, #tpu.memory_space<vmem>>
      %dma_start3A_106 = arith.constant 0 : i32
      %dma_start3A_107 = tpu.memref_slice %arg2[%mul3A_95, %dma_start3A_106] : memref<100000x128xf32, #tpu.memory_space<hbm>> -> memref<80x128xf32, #tpu.memory_space<hbm>>
      tpu.enqueue_dma source(%dma_start3A_107 : memref<80x128xf32, #tpu.memory_space<hbm>>) target(%dma_start3A_105 : memref<80x128xf32, #tpu.memory_space<vmem>>) target_semaphore(%arg13 : memref<!tpu.dma_semaphore, #tpu.memory_space<semaphore_mem>>)
    } else {
    }
    %gt3A_18 = arith.constant 2 : i32
    %gt3A_19 = arith.cmpi sgt, %add3A_7, %gt3A_18 : i32
    %convert_element_type3A_20 = arith.extui %gt3A_19 : i1 to i32
    %cond3A_21 = arith.constant 0 : i32
    %cond3A_22 = arith.cmpi ne, %convert_element_type3A_20, %cond3A_21 : i32
    scf.if %cond3A_22 {
      %add3A_92 = arith.constant 2 : i32
      %add3A_93 = arith.addi %add3A_4, %add3A_92 : i32
      %mul3A_94 = arith.constant 80 : i32
      %mul3A_95 = arith.muli %add3A_93, %mul3A_94 : i32
      %dma_start3A = arith.constant 2 : i32
      %dma_start3A_96 = arith.constant 0 : i32
      %dma_start3A_97 = arith.constant 0 : i32
      %dma_start3A_98 = tpu.memref_slice %arg9[%dma_start3A, %dma_start3A_96, %dma_start3A_97] : memref<4x80x128xf32, #tpu.memory_space<vmem>> -> memref<1x80x128xf32, #tpu.memory_space<vmem>>
      %dma_start3A_99 = tpu.memref_squeeze %dma_start3A_98 : memref<1x80x128xf32, #tpu.memory_space<vmem>> -> memref<80x128xf32, #tpu.memory_space<vmem>>
      %dma_start3A_100 = arith.constant 0 : i32
      %dma_start3A_101 = tpu.memref_slice %arg2[%mul3A_95, %dma_start3A_100] : memref<100000x128xf32, #tpu.memory_space<hbm>> -> memref<80x128xf32, #tpu.memory_space<hbm>>
      %dma_start3A_102 = arith.constant 0 : i32
      %dma_start3A_103 = arith.constant 0 : i32
      %dma_start3A_104 = tpu.memref_slice %arg9[%dma_start3A, %dma_start3A_102, %dma_start3A_103] : memref<4x80x128xf32, #tpu.memory_space<vmem>> -> memref<1x80x128xf32, #tpu.memory_space<vmem>>
      %dma_start3A_105 = tpu.memref_squeeze %dma_start3A_104 : memref<1x80x128xf32, #tpu.memory_space<vmem>> -> memref<80x128xf32, #tpu.memory_space<vmem>>
      %dma_start3A_106 = arith.constant 0 : i32
      %dma_start3A_107 = tpu.memref_slice %arg2[%mul3A_95, %dma_start3A_106] : memref<100000x128xf32, #tpu.memory_space<hbm>> -> memref<80x128xf32, #tpu.memory_space<hbm>>
      tpu.enqueue_dma source(%dma_start3A_107 : memref<80x128xf32, #tpu.memory_space<hbm>>) target(%dma_start3A_105 : memref<80x128xf32, #tpu.memory_space<vmem>>) target_semaphore(%arg14 : memref<!tpu.dma_semaphore, #tpu.memory_space<semaphore_mem>>)
    } else {
    }
    %gt3A_23 = arith.constant 3 : i32
    %gt3A_24 = arith.cmpi sgt, %add3A_7, %gt3A_23 : i32
    %convert_element_type3A_25 = arith.extui %gt3A_24 : i1 to i32
    %cond3A_26 = arith.constant 0 : i32
    %cond3A_27 = arith.cmpi ne, %convert_element_type3A_25, %cond3A_26 : i32
    scf.if %cond3A_27 {
      %add3A_92 = arith.constant 3 : i32
      %add3A_93 = arith.addi %add3A_4, %add3A_92 : i32
      %mul3A_94 = arith.constant 80 : i32
      %mul3A_95 = arith.muli %add3A_93, %mul3A_94 : i32
      %dma_start3A = arith.constant 3 : i32
      %dma_start3A_96 = arith.constant 0 : i32
      %dma_start3A_97 = arith.constant 0 : i32
      %dma_start3A_98 = tpu.memref_slice %arg9[%dma_start3A, %dma_start3A_96, %dma_start3A_97] : memref<4x80x128xf32, #tpu.memory_space<vmem>> -> memref<1x80x128xf32, #tpu.memory_space<vmem>>
      %dma_start3A_99 = tpu.memref_squeeze %dma_start3A_98 : memref<1x80x128xf32, #tpu.memory_space<vmem>> -> memref<80x128xf32, #tpu.memory_space<vmem>>
      %dma_start3A_100 = arith.constant 0 : i32
      %dma_start3A_101 = tpu.memref_slice %arg2[%mul3A_95, %dma_start3A_100] : memref<100000x128xf32, #tpu.memory_space<hbm>> -> memref<80x128xf32, #tpu.memory_space<hbm>>
      %dma_start3A_102 = arith.constant 0 : i32
      %dma_start3A_103 = arith.constant 0 : i32
      %dma_start3A_104 = tpu.memref_slice %arg9[%dma_start3A, %dma_start3A_102, %dma_start3A_103] : memref<4x80x128xf32, #tpu.memory_space<vmem>> -> memref<1x80x128xf32, #tpu.memory_space<vmem>>
      %dma_start3A_105 = tpu.memref_squeeze %dma_start3A_104 : memref<1x80x128xf32, #tpu.memory_space<vmem>> -> memref<80x128xf32, #tpu.memory_space<vmem>>
      %dma_start3A_106 = arith.constant 0 : i32
      %dma_start3A_107 = tpu.memref_slice %arg2[%mul3A_95, %dma_start3A_106] : memref<100000x128xf32, #tpu.memory_space<hbm>> -> memref<80x128xf32, #tpu.memory_space<hbm>>
      tpu.enqueue_dma source(%dma_start3A_107 : memref<80x128xf32, #tpu.memory_space<hbm>>) target(%dma_start3A_105 : memref<80x128xf32, #tpu.memory_space<vmem>>) target_semaphore(%arg15 : memref<!tpu.dma_semaphore, #tpu.memory_space<semaphore_mem>>)
    } else {
    }
    "tpu.region"() ({
      %run_scoped3A = tpu.sem_alloc : memref<!tpu.dma_semaphore, #tpu.memory_space<semaphore_mem>>
      %dma_start3A = arith.constant 0 : i32
      %dma_start3A_92 = tpu.memref_slice %arg7[%dma_start3A] : memref<3200xi32, #tpu.memory_space<vmem>> -> memref<3120xi32, #tpu.memory_space<vmem>>
      %dma_start3A_93 = tpu.memref_slice %arg3[%mul3A_9] : memref<100000xi32, #tpu.memory_space<hbm>> -> memref<3120xi32, #tpu.memory_space<hbm>>
      %dma_start3A_94 = arith.constant 0 : i32
      %dma_start3A_95 = tpu.memref_slice %arg7[%dma_start3A_94] : memref<3200xi32, #tpu.memory_space<vmem>> -> memref<3120xi32, #tpu.memory_space<vmem>>
      %dma_start3A_96 = tpu.memref_slice %arg3[%mul3A_9] : memref<100000xi32, #tpu.memory_space<hbm>> -> memref<3120xi32, #tpu.memory_space<hbm>>
      tpu.enqueue_dma source(%dma_start3A_96 : memref<3120xi32, #tpu.memory_space<hbm>>) target(%dma_start3A_95 : memref<3120xi32, #tpu.memory_space<vmem>>) target_semaphore(%run_scoped3A : memref<!tpu.dma_semaphore, #tpu.memory_space<semaphore_mem>>)
      %dma_wait3A = arith.constant 0 : i32
      %dma_wait3A_97 = tpu.memref_slice %arg7[%dma_wait3A] : memref<3200xi32, #tpu.memory_space<vmem>> -> memref<3120xi32, #tpu.memory_space<vmem>>
      %dma_wait3A_98 = tpu.memref_slice %arg3[%mul3A_9] : memref<100000xi32, #tpu.memory_space<hbm>> -> memref<3120xi32, #tpu.memory_space<hbm>>
      %dma_wait3A_99 = arith.constant 0 : i32
      %dma_wait3A_100 = tpu.memref_slice %arg7[%dma_wait3A_99] : memref<3200xi32, #tpu.memory_space<vmem>> -> memref<3120xi32, #tpu.memory_space<vmem>>
      %dma_wait3A_101 = tpu.memref_slice %arg3[%mul3A_9] : memref<100000xi32, #tpu.memory_space<hbm>> -> memref<3120xi32, #tpu.memory_space<hbm>>
      tpu.wait_dma2 semaphore(%run_scoped3A : memref<!tpu.dma_semaphore, #tpu.memory_space<semaphore_mem>>) src(%dma_wait3A_101 : memref<3120xi32, #tpu.memory_space<hbm>>) dst(%dma_wait3A_100 : memref<3120xi32, #tpu.memory_space<vmem>>)
      tpu.yield
    }) : () -> ()
    "tpu.region"() ({
      %run_scoped3A = tpu.sem_alloc : memref<!tpu.dma_semaphore, #tpu.memory_space<semaphore_mem>>
      %dma_start3A = arith.constant 0 : i32
      %dma_start3A_92 = tpu.memref_slice %arg8[%dma_start3A] : memref<3200xi32, #tpu.memory_space<vmem>> -> memref<3120xi32, #tpu.memory_space<vmem>>
      %dma_start3A_93 = tpu.memref_slice %arg4[%mul3A_9] : memref<100000xi32, #tpu.memory_space<hbm>> -> memref<3120xi32, #tpu.memory_space<hbm>>
      %dma_start3A_94 = arith.constant 0 : i32
      %dma_start3A_95 = tpu.memref_slice %arg8[%dma_start3A_94] : memref<3200xi32, #tpu.memory_space<vmem>> -> memref<3120xi32, #tpu.memory_space<vmem>>
      %dma_start3A_96 = tpu.memref_slice %arg4[%mul3A_9] : memref<100000xi32, #tpu.memory_space<hbm>> -> memref<3120xi32, #tpu.memory_space<hbm>>
      tpu.enqueue_dma source(%dma_start3A_96 : memref<3120xi32, #tpu.memory_space<hbm>>) target(%dma_start3A_95 : memref<3120xi32, #tpu.memory_space<vmem>>) target_semaphore(%run_scoped3A : memref<!tpu.dma_semaphore, #tpu.memory_space<semaphore_mem>>)
      %dma_wait3A = arith.constant 0 : i32
      %dma_wait3A_97 = tpu.memref_slice %arg8[%dma_wait3A] : memref<3200xi32, #tpu.memory_space<vmem>> -> memref<3120xi32, #tpu.memory_space<vmem>>
      %dma_wait3A_98 = tpu.memref_slice %arg4[%mul3A_9] : memref<100000xi32, #tpu.memory_space<hbm>> -> memref<3120xi32, #tpu.memory_space<hbm>>
      %dma_wait3A_99 = arith.constant 0 : i32
      %dma_wait3A_100 = tpu.memref_slice %arg8[%dma_wait3A_99] : memref<3200xi32, #tpu.memory_space<vmem>> -> memref<3120xi32, #tpu.memory_space<vmem>>
      %dma_wait3A_101 = tpu.memref_slice %arg4[%mul3A_9] : memref<100000xi32, #tpu.memory_space<hbm>> -> memref<3120xi32, #tpu.memory_space<hbm>>
      tpu.wait_dma2 semaphore(%run_scoped3A : memref<!tpu.dma_semaphore, #tpu.memory_space<semaphore_mem>>) src(%dma_wait3A_101 : memref<3120xi32, #tpu.memory_space<hbm>>) dst(%dma_wait3A_100 : memref<3120xi32, #tpu.memory_space<vmem>>)
      tpu.yield
    }) : () -> ()
    %lt3A_28 = arith.constant 2 : i32
    %lt3A_29 = arith.cmpi slt, %add3A, %lt3A_28 : i32
    %convert_element_type3A_30 = arith.extui %lt3A_29 : i1 to i32
    %cond3A_31 = arith.constant 0 : i32
    %cond3A_32 = arith.cmpi ne, %convert_element_type3A_30, %cond3A_31 : i32
    scf.if %cond3A_32 {
      %add3A_92 = arith.constant 3120 : i32
      %add3A_93 = arith.addi %mul3A_9, %add3A_92 : i32
      "tpu.region"() ({
        %run_scoped3A = tpu.sem_alloc : memref<!tpu.dma_semaphore, #tpu.memory_space<semaphore_mem>>
        %dma_start3A = arith.constant 3120 : i32
        %dma_start3A_96 = tpu.memref_slice %arg7[%dma_start3A] : memref<3200xi32, #tpu.memory_space<vmem>> -> memref<80xi32, #tpu.memory_space<vmem>>
        %dma_start3A_97 = tpu.memref_slice %arg3[%add3A_93] : memref<100000xi32, #tpu.memory_space<hbm>> -> memref<80xi32, #tpu.memory_space<hbm>>
        %dma_start3A_98 = arith.constant 3120 : i32
        %dma_start3A_99 = tpu.memref_slice %arg7[%dma_start3A_98] : memref<3200xi32, #tpu.memory_space<vmem>> -> memref<80xi32, #tpu.memory_space<vmem>>
        %dma_start3A_100 = tpu.memref_slice %arg3[%add3A_93] : memref<100000xi32, #tpu.memory_space<hbm>> -> memref<80xi32, #tpu.memory_space<hbm>>
        tpu.enqueue_dma source(%dma_start3A_100 : memref<80xi32, #tpu.memory_space<hbm>>) target(%dma_start3A_99 : memref<80xi32, #tpu.memory_space<vmem>>) target_semaphore(%run_scoped3A : memref<!tpu.dma_semaphore, #tpu.memory_space<semaphore_mem>>)
        %dma_wait3A = arith.constant 3120 : i32
        %dma_wait3A_101 = tpu.memref_slice %arg7[%dma_wait3A] : memref<3200xi32, #tpu.memory_space<vmem>> -> memref<80xi32, #tpu.memory_space<vmem>>
        %dma_wait3A_102 = tpu.memref_slice %arg3[%add3A_93] : memref<100000xi32, #tpu.memory_space<hbm>> -> memref<80xi32, #tpu.memory_space<hbm>>
        %dma_wait3A_103 = arith.constant 3120 : i32
        %dma_wait3A_104 = tpu.memref_slice %arg7[%dma_wait3A_103] : memref<3200xi32, #tpu.memory_space<vmem>> -> memref<80xi32, #tpu.memory_space<vmem>>
        %dma_wait3A_105 = tpu.memref_slice %arg3[%add3A_93] : memref<100000xi32, #tpu.memory_space<hbm>> -> memref<80xi32, #tpu.memory_space<hbm>>
        tpu.wait_dma2 semaphore(%run_scoped3A : memref<!tpu.dma_semaphore, #tpu.memory_space<semaphore_mem>>) src(%dma_wait3A_105 : memref<80xi32, #tpu.memory_space<hbm>>) dst(%dma_wait3A_104 : memref<80xi32, #tpu.memory_space<vmem>>)
        tpu.yield
      }) : () -> ()
      %add3A_94 = arith.constant 3120 : i32
      %add3A_95 = arith.addi %mul3A_9, %add3A_94 : i32
      "tpu.region"() ({
        %run_scoped3A = tpu.sem_alloc : memref<!tpu.dma_semaphore, #tpu.memory_space<semaphore_mem>>
        %dma_start3A = arith.constant 3120 : i32
        %dma_start3A_96 = tpu.memref_slice %arg8[%dma_start3A] : memref<3200xi32, #tpu.memory_space<vmem>> -> memref<80xi32, #tpu.memory_space<vmem>>
        %dma_start3A_97 = tpu.memref_slice %arg4[%add3A_95] : memref<100000xi32, #tpu.memory_space<hbm>> -> memref<80xi32, #tpu.memory_space<hbm>>
        %dma_start3A_98 = arith.constant 3120 : i32
        %dma_start3A_99 = tpu.memref_slice %arg8[%dma_start3A_98] : memref<3200xi32, #tpu.memory_space<vmem>> -> memref<80xi32, #tpu.memory_space<vmem>>
        %dma_start3A_100 = tpu.memref_slice %arg4[%add3A_95] : memref<100000xi32, #tpu.memory_space<hbm>> -> memref<80xi32, #tpu.memory_space<hbm>>
        tpu.enqueue_dma source(%dma_start3A_100 : memref<80xi32, #tpu.memory_space<hbm>>) target(%dma_start3A_99 : memref<80xi32, #tpu.memory_space<vmem>>) target_semaphore(%run_scoped3A : memref<!tpu.dma_semaphore, #tpu.memory_space<semaphore_mem>>)
        %dma_wait3A = arith.constant 3120 : i32
        %dma_wait3A_101 = tpu.memref_slice %arg8[%dma_wait3A] : memref<3200xi32, #tpu.memory_space<vmem>> -> memref<80xi32, #tpu.memory_space<vmem>>
        %dma_wait3A_102 = tpu.memref_slice %arg4[%add3A_95] : memref<100000xi32, #tpu.memory_space<hbm>> -> memref<80xi32, #tpu.memory_space<hbm>>
        %dma_wait3A_103 = arith.constant 3120 : i32
        %dma_wait3A_104 = tpu.memref_slice %arg8[%dma_wait3A_103] : memref<3200xi32, #tpu.memory_space<vmem>> -> memref<80xi32, #tpu.memory_space<vmem>>
        %dma_wait3A_105 = tpu.memref_slice %arg4[%add3A_95] : memref<100000xi32, #tpu.memory_space<hbm>> -> memref<80xi32, #tpu.memory_space<hbm>>
        tpu.wait_dma2 semaphore(%run_scoped3A : memref<!tpu.dma_semaphore, #tpu.memory_space<semaphore_mem>>) src(%dma_wait3A_105 : memref<80xi32, #tpu.memory_space<hbm>>) dst(%dma_wait3A_104 : memref<80xi32, #tpu.memory_space<vmem>>)
        tpu.yield
      }) : () -> ()
    } else {
    }
    %scan3A = arith.constant 0 : i32
    %scan3A_33 = arith.constant 0 : i32
    %scan3A_34 = arith.constant 195 : i32
    %scan3A_35 = arith.addi %scan3A_33, %scan3A_34 : i32
    %scan3A_36 = arith.constant 1 : i32
    %scan3A_37 = scf.for %scan3A_92 = %scan3A_33 to %scan3A_35 step %scan3A_36 iter_args(%scan3A_93 = %scan3A) -> (i32)  : i32 {
      %mul3A_94 = arith.constant 16 : i32
      %mul3A_95 = arith.muli %scan3A_92, %mul3A_94 : i32
      %get3A = arith.index_cast %mul3A_95 : i32 to index
      %get3A_96 = tpu.vector_load %arg7[%get3A] {strides = array<i32>} : memref<3200xi32, #tpu.memory_space<vmem>>, vector<16xi32>,
      %get3A_97 = vector.shape_cast %get3A_96 : vector<16xi32> to vector<16xi32>
      %mul3A_98 = arith.constant 7 : i32
      %mul3A_99 = vector.broadcast %mul3A_98 : i32 to vector<16xi32>
      %mul3A_100 = arith.muli %get3A_97, %mul3A_99 : vector<16xi32>
      %get3A_101 = arith.index_cast %mul3A_95 : i32 to index
      %get3A_102 = tpu.vector_load %arg8[%get3A_101] {strides = array<i32>} : memref<3200xi32, #tpu.memory_space<vmem>>, vector<16xi32>,
      %get3A_103 = vector.shape_cast %get3A_102 : vector<16xi32> to vector<16xi32>
      %add3A_104 = arith.addi %mul3A_100, %get3A_103 : vector<16xi32>
      %jit3A = arith.constant 5 : i32
      %div3A = arith.divsi %scan3A_92, %jit3A : i32
      %sign3A = arith.constant 0 : i32
      %sign3A_105 = arith.cmpi sgt, %scan3A_92, %sign3A : i32
      %sign3A_106 = arith.extui %sign3A_105 : i1 to i32
      %sign3A_107 = arith.constant 0 : i32
      %sign3A_108 = arith.cmpi slt, %scan3A_92, %sign3A_107 : i32
      %sign3A_109 = arith.extui %sign3A_108 : i1 to i32
      %sign3A_110 = arith.subi %sign3A_106, %sign3A_109 : i32
      %sign3A_111 = arith.constant 0 : i32
      %sign3A_112 = arith.cmpi sgt, %jit3A, %sign3A_111 : i32
      %sign3A_113 = arith.extui %sign3A_112 : i1 to i32
      %sign3A_114 = arith.constant 0 : i32
      %sign3A_115 = arith.cmpi slt, %jit3A, %sign3A_114 : i32
      %sign3A_116 = arith.extui %sign3A_115 : i1 to i32
      %sign3A_117 = arith.subi %sign3A_113, %sign3A_116 : i32
      %ne3A = arith.cmpi ne, %sign3A_110, %sign3A_117 : i32
      %rem3A = arith.remsi %scan3A_92, %jit3A : i32
      %ne3A_118 = arith.constant 0 : i32
      %ne3A_119 = arith.cmpi ne, %rem3A, %ne3A_118 : i32
      %and3A = arith.andi %ne3A, %ne3A_119 : i1
      %sub3A = arith.constant 1 : i32
      %sub3A_120 = arith.subi %div3A, %sub3A : i32
      %select_n3A = arith.select %and3A, %sub3A_120, %div3A : i32
      %jit3A_121 = arith.constant 5 : i32
      %eq3A = arith.constant 0 : i32
      %eq3A_122 = arith.cmpi eq, %jit3A_121, %eq3A : i32
      %jit3A_123 = arith.constant 1 : i32
      %select_n3A_124 = arith.select %eq3A_122, %jit3A_123, %jit3A_121 : i32
      %rem3A_125 = arith.remsi %scan3A_92, %select_n3A_124 : i32
      %ne3A_126 = arith.constant 0 : i32
      %ne3A_127 = arith.cmpi ne, %rem3A_125, %ne3A_126 : i32
      %lt3A_128 = arith.constant 0 : i32
      %lt3A_129 = arith.cmpi slt, %rem3A_125, %lt3A_128 : i32
      %lt3A_130 = arith.constant 0 : i32
      %lt3A_131 = arith.cmpi slt, %select_n3A_124, %lt3A_130 : i32
      %ne3A_132 = arith.xori %lt3A_129, %lt3A_131 : i1
      %and3A_133 = arith.andi %ne3A_132, %ne3A_127 : i1
      %add3A_134 = arith.addi %rem3A_125, %select_n3A_124 : i32
      %select_n3A_135 = arith.select %and3A_133, %add3A_134, %rem3A_125 : i32
      %mul3A_136 = arith.constant 16 : i32
      %mul3A_137 = arith.muli %select_n3A_135, %mul3A_136 : i32
      %swap3A = arith.index_cast %select_n3A : i32 to index
      %swap3A_138 = arith.index_cast %mul3A_137 : i32 to index
      %swap3A_139 = tpu.vector_load %arg6[%swap3A, %swap3A_138] {strides = array<i32>} : memref<40x80xi32, #tpu.memory_space<vmem>>, vector<1x16xi32>,
      %swap3A_140 = vector.shape_cast %swap3A_139 : vector<1x16xi32> to vector<16xi32>
      %swap3A_141 = vector.shape_cast %add3A_104 : vector<16xi32> to vector<1x16xi32>
      tpu.vector_store %arg6[%swap3A, %swap3A_138], %swap3A_141 {strides = array<i32>} : memref<40x80xi32, #tpu.memory_space<vmem>>, vector<1x16xi32>,
      %scan3A_142 = arith.constant 0 : i32
      scf.yield %scan3A_142 : i32
    }
    %scan3A_38 = arith.constant 195 : i32
    %lt3A_39 = arith.constant 2 : i32
    %lt3A_40 = arith.cmpi slt, %add3A, %lt3A_39 : i32
    %convert_element_type3A_41 = arith.extui %lt3A_40 : i1 to i32
    %cond3A_42 = arith.constant 0 : i32
    %cond3A_43 = arith.cmpi ne, %convert_element_type3A_41, %cond3A_42 : i32
    scf.if %cond3A_43 {
      %scan3A_92 = arith.constant 0 : i32
      %scan3A_93 = arith.constant 0 : i32
      %scan3A_94 = arith.constant 5 : i32
      %scan3A_95 = arith.addi %scan3A_93, %scan3A_94 : i32
      %scan3A_96 = arith.constant 1 : i32
      %scan3A_97 = scf.for %scan3A_99 = %scan3A_93 to %scan3A_95 step %scan3A_96 iter_args(%scan3A_100 = %scan3A_92) -> (i32)  : i32 {
        %mul3A_101 = arith.constant 16 : i32
        %mul3A_102 = arith.muli %scan3A_99, %mul3A_101 : i32
        %add3A_103 = arith.constant 3120 : i32
        %add3A_104 = arith.addi %add3A_103, %mul3A_102 : i32
        %get3A = arith.index_cast %add3A_104 : i32 to index
        %get3A_105 = tpu.vector_load %arg7[%get3A] {strides = array<i32>} : memref<3200xi32, #tpu.memory_space<vmem>>, vector<16xi32>,
        %get3A_106 = vector.shape_cast %get3A_105 : vector<16xi32> to vector<16xi32>
        %mul3A_107 = arith.constant 7 : i32
        %mul3A_108 = vector.broadcast %mul3A_107 : i32 to vector<16xi32>
        %mul3A_109 = arith.muli %get3A_106, %mul3A_108 : vector<16xi32>
        %get3A_110 = arith.index_cast %add3A_104 : i32 to index
        %get3A_111 = tpu.vector_load %arg8[%get3A_110] {strides = array<i32>} : memref<3200xi32, #tpu.memory_space<vmem>>, vector<16xi32>,
        %get3A_112 = vector.shape_cast %get3A_111 : vector<16xi32> to vector<16xi32>
        %add3A_113 = arith.addi %mul3A_109, %get3A_112 : vector<16xi32>
        %mul3A_114 = arith.constant 16 : i32
        %mul3A_115 = arith.muli %scan3A_99, %mul3A_114 : i32
        %swap3A = arith.constant 39 : i32
        %swap3A_116 = arith.index_cast %swap3A : i32 to index
        %swap3A_117 = arith.index_cast %mul3A_115 : i32 to index
        %swap3A_118 = tpu.vector_load %arg6[%swap3A_116, %swap3A_117] {strides = array<i32>} : memref<40x80xi32, #tpu.memory_space<vmem>>, vector<1x16xi32>,
        %swap3A_119 = vector.shape_cast %swap3A_118 : vector<1x16xi32> to vector<16xi32>
        %swap3A_120 = vector.shape_cast %add3A_113 : vector<16xi32> to vector<1x16xi32>
        tpu.vector_store %arg6[%swap3A_116, %swap3A_117], %swap3A_120 {strides = array<i32>} : memref<40x80xi32, #tpu.memory_space<vmem>>, vector<1x16xi32>,
        %scan3A_121 = arith.constant 0 : i32
        scf.yield %scan3A_121 : i32
      }
      %scan3A_98 = arith.constant 5 : i32
    } else {
    }
    %broadcast_in_dim3A = arith.constant 0.000000e+00 : f32
    %broadcast_in_dim3A_44 = vector.broadcast %broadcast_in_dim3A : f32 to vector<16xf32>
    %scan3A_45 = arith.constant 0 : i32
    %scan3A_46 = arith.constant 0 : i32
    %scan3A_47 = arith.constant 128 : i32
    %scan3A_48 = arith.addi %scan3A_46, %scan3A_47 : i32
    %scan3A_49 = arith.constant 1 : i32
    %scan3A_50 = scf.for %scan3A_92 = %scan3A_46 to %scan3A_48 step %scan3A_49 iter_args(%scan3A_93 = %scan3A_45) -> (i32)  : i32 {
      %jit3A = arith.constant 8 : i32
      %div3A = arith.divsi %scan3A_92, %jit3A : i32
      %sign3A = arith.constant 0 : i32
      %sign3A_94 = arith.cmpi sgt, %scan3A_92, %sign3A : i32
      %sign3A_95 = arith.extui %sign3A_94 : i1 to i32
      %sign3A_96 = arith.constant 0 : i32
      %sign3A_97 = arith.cmpi slt, %scan3A_92, %sign3A_96 : i32
      %sign3A_98 = arith.extui %sign3A_97 : i1 to i32
      %sign3A_99 = arith.subi %sign3A_95, %sign3A_98 : i32
      %sign3A_100 = arith.constant 0 : i32
      %sign3A_101 = arith.cmpi sgt, %jit3A, %sign3A_100 : i32
      %sign3A_102 = arith.extui %sign3A_101 : i1 to i32
      %sign3A_103 = arith.constant 0 : i32
      %sign3A_104 = arith.cmpi slt, %jit3A, %sign3A_103 : i32
      %sign3A_105 = arith.extui %sign3A_104 : i1 to i32
      %sign3A_106 = arith.subi %sign3A_102, %sign3A_105 : i32
      %ne3A = arith.cmpi ne, %sign3A_99, %sign3A_106 : i32
      %rem3A = arith.remsi %scan3A_92, %jit3A : i32
      %ne3A_107 = arith.constant 0 : i32
      %ne3A_108 = arith.cmpi ne, %rem3A, %ne3A_107 : i32
      %and3A = arith.andi %ne3A, %ne3A_108 : i1
      %sub3A = arith.constant 1 : i32
      %sub3A_109 = arith.subi %div3A, %sub3A : i32
      %select_n3A = arith.select %and3A, %sub3A_109, %div3A : i32
      %jit3A_110 = arith.constant 8 : i32
      %eq3A = arith.constant 0 : i32
      %eq3A_111 = arith.cmpi eq, %jit3A_110, %eq3A : i32
      %jit3A_112 = arith.constant 1 : i32
      %select_n3A_113 = arith.select %eq3A_111, %jit3A_112, %jit3A_110 : i32
      %rem3A_114 = arith.remsi %scan3A_92, %select_n3A_113 : i32
      %ne3A_115 = arith.constant 0 : i32
      %ne3A_116 = arith.cmpi ne, %rem3A_114, %ne3A_115 : i32
      %lt3A_117 = arith.constant 0 : i32
      %lt3A_118 = arith.cmpi slt, %rem3A_114, %lt3A_117 : i32
      %lt3A_119 = arith.constant 0 : i32
      %lt3A_120 = arith.cmpi slt, %select_n3A_113, %lt3A_119 : i32
      %ne3A_121 = arith.xori %lt3A_118, %lt3A_120 : i1
      %and3A_122 = arith.andi %ne3A_121, %ne3A_116 : i1
      %add3A_123 = arith.addi %rem3A_114, %select_n3A_113 : i32
      %select_n3A_124 = arith.select %and3A_122, %add3A_123, %rem3A_114 : i32
      %mul3A_125 = arith.constant 16 : i32
      %mul3A_126 = arith.muli %select_n3A_124, %mul3A_125 : i32
      %swap3A = arith.index_cast %select_n3A : i32 to index
      %swap3A_127 = arith.index_cast %mul3A_126 : i32 to index
      %swap3A_128 = tpu.vector_load %arg10[%swap3A, %swap3A_127] {strides = array<i32>} : memref<16x128xf32, #tpu.memory_space<vmem>>, vector<1x16xf32>,
      %swap3A_129 = vector.shape_cast %swap3A_128 : vector<1x16xf32> to vector<16xf32>
      %swap3A_130 = vector.shape_cast %broadcast_in_dim3A_44 : vector<16xf32> to vector<1x16xf32>
      tpu.vector_store %arg10[%swap3A, %swap3A_127], %swap3A_130 {strides = array<i32>} : memref<16x128xf32, #tpu.memory_space<vmem>>, vector<1x16xf32>,
      %scan3A_131 = arith.constant 0 : i32
      scf.yield %scan3A_131 : i32
    }
    %scan3A_51 = arith.constant 128 : i32
    %mul3A_52 = arith.constant 112 : i32
    %mul3A_53 = arith.muli %arg1, %mul3A_52 : i32
    %add3A_54 = arith.constant 0 : i32
    %add3A_55 = arith.addi %mul3A_53, %add3A_54 : i32
    "tpu.region"() ({
      %run_scoped3A = tpu.sem_alloc : memref<!tpu.dma_semaphore, #tpu.memory_space<semaphore_mem>>
      %dma_start3A = arith.constant 0 : i32
      %dma_start3A_92 = tpu.memref_slice %arg11[%add3A_55, %dma_start3A] : memref<1792x128xf32, #tpu.memory_space<vmem_shared>> -> memref<16x128xf32, #tpu.memory_space<vmem_shared>>
      %dma_start3A_93 = arith.constant 0 : i32
      %dma_start3A_94 = tpu.memref_slice %arg11[%add3A_55, %dma_start3A_93] : memref<1792x128xf32, #tpu.memory_space<vmem_shared>> -> memref<16x128xf32, #tpu.memory_space<vmem_shared>>
      tpu.enqueue_dma source(%arg10 : memref<16x128xf32, #tpu.memory_space<vmem>>) target(%dma_start3A_94 : memref<16x128xf32, #tpu.memory_space<vmem_shared>>) target_semaphore(%run_scoped3A : memref<!tpu.dma_semaphore, #tpu.memory_space<semaphore_mem>>)
      %dma_wait3A = arith.constant 0 : i32
      %dma_wait3A_95 = tpu.memref_slice %arg11[%add3A_55, %dma_wait3A] : memref<1792x128xf32, #tpu.memory_space<vmem_shared>> -> memref<16x128xf32, #tpu.memory_space<vmem_shared>>
      %dma_wait3A_96 = arith.constant 0 : i32
      %dma_wait3A_97 = tpu.memref_slice %arg11[%add3A_55, %dma_wait3A_96] : memref<1792x128xf32, #tpu.memory_space<vmem_shared>> -> memref<16x128xf32, #tpu.memory_space<vmem_shared>>
      tpu.wait_dma2 semaphore(%run_scoped3A : memref<!tpu.dma_semaphore, #tpu.memory_space<semaphore_mem>>) src(%arg10 : memref<16x128xf32, #tpu.memory_space<vmem>>) dst(%dma_wait3A_97 : memref<16x128xf32, #tpu.memory_space<vmem_shared>>)
      tpu.yield
    }) : () -> ()
    %mul3A_56 = arith.constant 112 : i32
    %mul3A_57 = arith.muli %arg1, %mul3A_56 : i32
    %add3A_58 = arith.constant 16 : i32
    %add3A_59 = arith.addi %mul3A_57, %add3A_58 : i32
    "tpu.region"() ({
      %run_scoped3A = tpu.sem_alloc : memref<!tpu.dma_semaphore, #tpu.memory_space<semaphore_mem>>
      %dma_start3A = arith.constant 0 : i32
      %dma_start3A_92 = tpu.memref_slice %arg11[%add3A_59, %dma_start3A] : memref<1792x128xf32, #tpu.memory_space<vmem_shared>> -> memref<16x128xf32, #tpu.memory_space<vmem_shared>>
      %dma_start3A_93 = arith.constant 0 : i32
      %dma_start3A_94 = tpu.memref_slice %arg11[%add3A_59, %dma_start3A_93] : memref<1792x128xf32, #tpu.memory_space<vmem_shared>> -> memref<16x128xf32, #tpu.memory_space<vmem_shared>>
      tpu.enqueue_dma source(%arg10 : memref<16x128xf32, #tpu.memory_space<vmem>>) target(%dma_start3A_94 : memref<16x128xf32, #tpu.memory_space<vmem_shared>>) target_semaphore(%run_scoped3A : memref<!tpu.dma_semaphore, #tpu.memory_space<semaphore_mem>>)
      %dma_wait3A = arith.constant 0 : i32
      %dma_wait3A_95 = tpu.memref_slice %arg11[%add3A_59, %dma_wait3A] : memref<1792x128xf32, #tpu.memory_space<vmem_shared>> -> memref<16x128xf32, #tpu.memory_space<vmem_shared>>
      %dma_wait3A_96 = arith.constant 0 : i32
      %dma_wait3A_97 = tpu.memref_slice %arg11[%add3A_59, %dma_wait3A_96] : memref<1792x128xf32, #tpu.memory_space<vmem_shared>> -> memref<16x128xf32, #tpu.memory_space<vmem_shared>>
      tpu.wait_dma2 semaphore(%run_scoped3A : memref<!tpu.dma_semaphore, #tpu.memory_space<semaphore_mem>>) src(%arg10 : memref<16x128xf32, #tpu.memory_space<vmem>>) dst(%dma_wait3A_97 : memref<16x128xf32, #tpu.memory_space<vmem_shared>>)
      tpu.yield
    }) : () -> ()
    %mul3A_60 = arith.constant 112 : i32
    %mul3A_61 = arith.muli %arg1, %mul3A_60 : i32
    %add3A_62 = arith.constant 32 : i32
    %add3A_63 = arith.addi %mul3A_61, %add3A_62 : i32
    "tpu.region"() ({
      %run_scoped3A = tpu.sem_alloc : memref<!tpu.dma_semaphore, #tpu.memory_space<semaphore_mem>>
      %dma_start3A = arith.constant 0 : i32
      %dma_start3A_92 = tpu.memref_slice %arg11[%add3A_63, %dma_start3A] : memref<1792x128xf32, #tpu.memory_space<vmem_shared>> -> memref<16x128xf32, #tpu.memory_space<vmem_shared>>
      %dma_start3A_93 = arith.constant 0 : i32
      %dma_start3A_94 = tpu.memref_slice %arg11[%add3A_63, %dma_start3A_93] : memref<1792x128xf32, #tpu.memory_space<vmem_shared>> -> memref<16x128xf32, #tpu.memory_space<vmem_shared>>
      tpu.enqueue_dma source(%arg10 : memref<16x128xf32, #tpu.memory_space<vmem>>) target(%dma_start3A_94 : memref<16x128xf32, #tpu.memory_space<vmem_shared>>) target_semaphore(%run_scoped3A : memref<!tpu.dma_semaphore, #tpu.memory_space<semaphore_mem>>)
      %dma_wait3A = arith.constant 0 : i32
      %dma_wait3A_95 = tpu.memref_slice %arg11[%add3A_63, %dma_wait3A] : memref<1792x128xf32, #tpu.memory_space<vmem_shared>> -> memref<16x128xf32, #tpu.memory_space<vmem_shared>>
      %dma_wait3A_96 = arith.constant 0 : i32
      %dma_wait3A_97 = tpu.memref_slice %arg11[%add3A_63, %dma_wait3A_96] : memref<1792x128xf32, #tpu.memory_space<vmem_shared>> -> memref<16x128xf32, #tpu.memory_space<vmem_shared>>
      tpu.wait_dma2 semaphore(%run_scoped3A : memref<!tpu.dma_semaphore, #tpu.memory_space<semaphore_mem>>) src(%arg10 : memref<16x128xf32, #tpu.memory_space<vmem>>) dst(%dma_wait3A_97 : memref<16x128xf32, #tpu.memory_space<vmem_shared>>)
      tpu.yield
    }) : () -> ()
    %mul3A_64 = arith.constant 112 : i32
    %mul3A_65 = arith.muli %arg1, %mul3A_64 : i32
    %add3A_66 = arith.constant 48 : i32
    %add3A_67 = arith.addi %mul3A_65, %add3A_66 : i32
    "tpu.region"() ({
      %run_scoped3A = tpu.sem_alloc : memref<!tpu.dma_semaphore, #tpu.memory_space<semaphore_mem>>
      %dma_start3A = arith.constant 0 : i32
      %dma_start3A_92 = tpu.memref_slice %arg11[%add3A_67, %dma_start3A] : memref<1792x128xf32, #tpu.memory_space<vmem_shared>> -> memref<16x128xf32, #tpu.memory_space<vmem_shared>>
      %dma_start3A_93 = arith.constant 0 : i32
      %dma_start3A_94 = tpu.memref_slice %arg11[%add3A_67, %dma_start3A_93] : memref<1792x128xf32, #tpu.memory_space<vmem_shared>> -> memref<16x128xf32, #tpu.memory_space<vmem_shared>>
      tpu.enqueue_dma source(%arg10 : memref<16x128xf32, #tpu.memory_space<vmem>>) target(%dma_start3A_94 : memref<16x128xf32, #tpu.memory_space<vmem_shared>>) target_semaphore(%run_scoped3A : memref<!tpu.dma_semaphore, #tpu.memory_space<semaphore_mem>>)
      %dma_wait3A = arith.constant 0 : i32
      %dma_wait3A_95 = tpu.memref_slice %arg11[%add3A_67, %dma_wait3A] : memref<1792x128xf32, #tpu.memory_space<vmem_shared>> -> memref<16x128xf32, #tpu.memory_space<vmem_shared>>
      %dma_wait3A_96 = arith.constant 0 : i32
      %dma_wait3A_97 = tpu.memref_slice %arg11[%add3A_67, %dma_wait3A_96] : memref<1792x128xf32, #tpu.memory_space<vmem_shared>> -> memref<16x128xf32, #tpu.memory_space<vmem_shared>>
      tpu.wait_dma2 semaphore(%run_scoped3A : memref<!tpu.dma_semaphore, #tpu.memory_space<semaphore_mem>>) src(%arg10 : memref<16x128xf32, #tpu.memory_space<vmem>>) dst(%dma_wait3A_97 : memref<16x128xf32, #tpu.memory_space<vmem_shared>>)
      tpu.yield
    }) : () -> ()
    %mul3A_68 = arith.constant 112 : i32
    %mul3A_69 = arith.muli %arg1, %mul3A_68 : i32
    %add3A_70 = arith.constant 64 : i32
    %add3A_71 = arith.addi %mul3A_69, %add3A_70 : i32
    "tpu.region"() ({
      %run_scoped3A = tpu.sem_alloc : memref<!tpu.dma_semaphore, #tpu.memory_space<semaphore_mem>>
      %dma_start3A = arith.constant 0 : i32
      %dma_start3A_92 = tpu.memref_slice %arg11[%add3A_71, %dma_start3A] : memref<1792x128xf32, #tpu.memory_space<vmem_shared>> -> memref<16x128xf32, #tpu.memory_space<vmem_shared>>
      %dma_start3A_93 = arith.constant 0 : i32
      %dma_start3A_94 = tpu.memref_slice %arg11[%add3A_71, %dma_start3A_93] : memref<1792x128xf32, #tpu.memory_space<vmem_shared>> -> memref<16x128xf32, #tpu.memory_space<vmem_shared>>
      tpu.enqueue_dma source(%arg10 : memref<16x128xf32, #tpu.memory_space<vmem>>) target(%dma_start3A_94 : memref<16x128xf32, #tpu.memory_space<vmem_shared>>) target_semaphore(%run_scoped3A : memref<!tpu.dma_semaphore, #tpu.memory_space<semaphore_mem>>)
      %dma_wait3A = arith.constant 0 : i32
      %dma_wait3A_95 = tpu.memref_slice %arg11[%add3A_71, %dma_wait3A] : memref<1792x128xf32, #tpu.memory_space<vmem_shared>> -> memref<16x128xf32, #tpu.memory_space<vmem_shared>>
      %dma_wait3A_96 = arith.constant 0 : i32
      %dma_wait3A_97 = tpu.memref_slice %arg11[%add3A_71, %dma_wait3A_96] : memref<1792x128xf32, #tpu.memory_space<vmem_shared>> -> memref<16x128xf32, #tpu.memory_space<vmem_shared>>
      tpu.wait_dma2 semaphore(%run_scoped3A : memref<!tpu.dma_semaphore, #tpu.memory_space<semaphore_mem>>) src(%arg10 : memref<16x128xf32, #tpu.memory_space<vmem>>) dst(%dma_wait3A_97 : memref<16x128xf32, #tpu.memory_space<vmem_shared>>)
      tpu.yield
    }) : () -> ()
    %mul3A_72 = arith.constant 112 : i32
    %mul3A_73 = arith.muli %arg1, %mul3A_72 : i32
    %add3A_74 = arith.constant 80 : i32
    %add3A_75 = arith.addi %mul3A_73, %add3A_74 : i32
    "tpu.region"() ({
      %run_scoped3A = tpu.sem_alloc : memref<!tpu.dma_semaphore, #tpu.memory_space<semaphore_mem>>
      %dma_start3A = arith.constant 0 : i32
      %dma_start3A_92 = tpu.memref_slice %arg11[%add3A_75, %dma_start3A] : memref<1792x128xf32, #tpu.memory_space<vmem_shared>> -> memref<16x128xf32, #tpu.memory_space<vmem_shared>>
      %dma_start3A_93 = arith.constant 0 : i32
      %dma_start3A_94 = tpu.memref_slice %arg11[%add3A_75, %dma_start3A_93] : memref<1792x128xf32, #tpu.memory_space<vmem_shared>> -> memref<16x128xf32, #tpu.memory_space<vmem_shared>>
      tpu.enqueue_dma source(%arg10 : memref<16x128xf32, #tpu.memory_space<vmem>>) target(%dma_start3A_94 : memref<16x128xf32, #tpu.memory_space<vmem_shared>>) target_semaphore(%run_scoped3A : memref<!tpu.dma_semaphore, #tpu.memory_space<semaphore_mem>>)
      %dma_wait3A = arith.constant 0 : i32
      %dma_wait3A_95 = tpu.memref_slice %arg11[%add3A_75, %dma_wait3A] : memref<1792x128xf32, #tpu.memory_space<vmem_shared>> -> memref<16x128xf32, #tpu.memory_space<vmem_shared>>
      %dma_wait3A_96 = arith.constant 0 : i32
      %dma_wait3A_97 = tpu.memref_slice %arg11[%add3A_75, %dma_wait3A_96] : memref<1792x128xf32, #tpu.memory_space<vmem_shared>> -> memref<16x128xf32, #tpu.memory_space<vmem_shared>>
      tpu.wait_dma2 semaphore(%run_scoped3A : memref<!tpu.dma_semaphore, #tpu.memory_space<semaphore_mem>>) src(%arg10 : memref<16x128xf32, #tpu.memory_space<vmem>>) dst(%dma_wait3A_97 : memref<16x128xf32, #tpu.memory_space<vmem_shared>>)
      tpu.yield
    }) : () -> ()
    %mul3A_76 = arith.constant 112 : i32
    %mul3A_77 = arith.muli %arg1, %mul3A_76 : i32
    %add3A_78 = arith.constant 96 : i32
    %add3A_79 = arith.addi %mul3A_77, %add3A_78 : i32
    "tpu.region"() ({
      %run_scoped3A = tpu.sem_alloc : memref<!tpu.dma_semaphore, #tpu.memory_space<semaphore_mem>>
      %dma_start3A = arith.constant 0 : i32
      %dma_start3A_92 = tpu.memref_slice %arg11[%add3A_79, %dma_start3A] : memref<1792x128xf32, #tpu.memory_space<vmem_shared>> -> memref<16x128xf32, #tpu.memory_space<vmem_shared>>
      %dma_start3A_93 = arith.constant 0 : i32
      %dma_start3A_94 = tpu.memref_slice %arg11[%add3A_79, %dma_start3A_93] : memref<1792x128xf32, #tpu.memory_space<vmem_shared>> -> memref<16x128xf32, #tpu.memory_space<vmem_shared>>
      tpu.enqueue_dma source(%arg10 : memref<16x128xf32, #tpu.memory_space<vmem>>) target(%dma_start3A_94 : memref<16x128xf32, #tpu.memory_space<vmem_shared>>) target_semaphore(%run_scoped3A : memref<!tpu.dma_semaphore, #tpu.memory_space<semaphore_mem>>)
      %dma_wait3A = arith.constant 0 : i32
      %dma_wait3A_95 = tpu.memref_slice %arg11[%add3A_79, %dma_wait3A] : memref<1792x128xf32, #tpu.memory_space<vmem_shared>> -> memref<16x128xf32, #tpu.memory_space<vmem_shared>>
      %dma_wait3A_96 = arith.constant 0 : i32
      %dma_wait3A_97 = tpu.memref_slice %arg11[%add3A_79, %dma_wait3A_96] : memref<1792x128xf32, #tpu.memory_space<vmem_shared>> -> memref<16x128xf32, #tpu.memory_space<vmem_shared>>
      tpu.wait_dma2 semaphore(%run_scoped3A : memref<!tpu.dma_semaphore, #tpu.memory_space<semaphore_mem>>) src(%arg10 : memref<16x128xf32, #tpu.memory_space<vmem>>) dst(%dma_wait3A_97 : memref<16x128xf32, #tpu.memory_space<vmem_shared>>)
      tpu.yield
    }) : () -> ()
    %barrier3A = arith.constant 0 : index
    tpu.barrier barrier_id(%barrier3A)
    %scan3A_80 = arith.constant 0 : i32
    %scan3A_81 = arith.constant 0 : i32
    %scan3A_82 = arith.constant 10 : i32
    %scan3A_83 = arith.addi %scan3A_81, %scan3A_82 : i32
    %scan3A_84 = arith.constant 1 : i32
    %scan3A_85 = scf.for %scan3A_92 = %scan3A_81 to %scan3A_83 step %scan3A_84 iter_args(%scan3A_93 = %scan3A_80) -> (i32)  : i32 {
      %mul3A_94 = arith.constant 4 : i32
      %mul3A_95 = arith.muli %scan3A_92, %mul3A_94 : i32
      %add3A_96 = arith.constant 0 : i32
      %add3A_97 = arith.addi %mul3A_95, %add3A_96 : i32
      %lt3A_98 = arith.cmpi slt, %add3A_97, %add3A_7 : i32
      %convert_element_type3A_99 = arith.extui %lt3A_98 : i1 to i32
      %cond3A_100 = arith.constant 0 : i32
      %cond3A_101 = arith.cmpi ne, %convert_element_type3A_99, %cond3A_100 : i32
      scf.if %cond3A_101 {
        %dma_wait3A = arith.constant 0 : i32
        %dma_wait3A_127 = arith.constant 0 : i32
        %dma_wait3A_128 = arith.constant 0 : i32
        %dma_wait3A_129 = tpu.memref_slice %arg9[%dma_wait3A, %dma_wait3A_127, %dma_wait3A_128] : memref<4x80x128xf32, #tpu.memory_space<vmem>> -> memref<1x80x128xf32, #tpu.memory_space<vmem>>
        %dma_wait3A_130 = tpu.memref_squeeze %dma_wait3A_129 : memref<1x80x128xf32, #tpu.memory_space<vmem>> -> memref<80x128xf32, #tpu.memory_space<vmem>>
        %dma_wait3A_131 = arith.constant 0 : i32
        %dma_wait3A_132 = arith.constant 0 : i32
        %dma_wait3A_133 = tpu.memref_slice %arg2[%dma_wait3A_131, %dma_wait3A_132] : memref<100000x128xf32, #tpu.memory_space<hbm>> -> memref<80x128xf32, #tpu.memory_space<hbm>>
        %dma_wait3A_134 = arith.constant 0 : i32
        %dma_wait3A_135 = arith.constant 0 : i32
        %dma_wait3A_136 = tpu.memref_slice %arg9[%dma_wait3A, %dma_wait3A_134, %dma_wait3A_135] : memref<4x80x128xf32, #tpu.memory_space<vmem>> -> memref<1x80x128xf32, #tpu.memory_space<vmem>>
        %dma_wait3A_137 = tpu.memref_squeeze %dma_wait3A_136 : memref<1x80x128xf32, #tpu.memory_space<vmem>> -> memref<80x128xf32, #tpu.memory_space<vmem>>
        %dma_wait3A_138 = arith.constant 0 : i32
        %dma_wait3A_139 = arith.constant 0 : i32
        %dma_wait3A_140 = tpu.memref_slice %arg2[%dma_wait3A_138, %dma_wait3A_139] : memref<100000x128xf32, #tpu.memory_space<hbm>> -> memref<80x128xf32, #tpu.memory_space<hbm>>
        tpu.wait_dma2 semaphore(%arg12 : memref<!tpu.dma_semaphore, #tpu.memory_space<semaphore_mem>>) src(%dma_wait3A_140 : memref<80x128xf32, #tpu.memory_space<hbm>>) dst(%dma_wait3A_137 : memref<80x128xf32, #tpu.memory_space<vmem>>)
        %run_scoped3A = arith.constant 0 : i32
        "tpu.region"() ({
          %run_scoped3A_147 = tpu.sem_alloc : memref<!tpu.dma_semaphore, #tpu.memory_space<semaphore_mem>>
          %dma_start3A = arith.constant 0 : i32
          %dma_start3A_148 = arith.constant 0 : i32
          %dma_start3A_149 = tpu.memref_slice %arg9[%run_scoped3A, %dma_start3A, %dma_start3A_148] : memref<4x80x128xf32, #tpu.memory_space<vmem>> -> memref<1x80x128xf32, #tpu.memory_space<vmem>>
          %dma_start3A_150 = tpu.memref_squeeze %dma_start3A_149 : memref<1x80x128xf32, #tpu.memory_space<vmem>> -> memref<80x128xf32, #tpu.memory_space<vmem>>
          %dma_start3A_151 = arith.constant 0 : i32
          %dma_start3A_152 = tpu.memref_slice %arg6[%add3A_97, %dma_start3A_151] : memref<40x80xi32, #tpu.memory_space<vmem>> -> memref<1x80xi32, #tpu.memory_space<vmem>>
          %dma_start3A_153 = tpu.memref_squeeze %dma_start3A_152 : memref<1x80xi32, #tpu.memory_space<vmem>> -> memref<80xi32, #tpu.memory_space<vmem>>
          %dma_start3A_154 = arith.constant 0 : i32
          %dma_start3A_155 = arith.constant 0 : i32
          %dma_start3A_156 = tpu.memref_slice %arg11[%dma_start3A_154, %dma_start3A_155] : memref<1792x128xf32, #tpu.memory_space<vmem_shared>> -> memref<1792x128xf32, #tpu.memory_space<vmem_shared>>
          tpu.enqueue_indirect_dma source(%dma_start3A_150 : memref<80x128xf32, #tpu.memory_space<vmem>>) target(%dma_start3A_156 : memref<1792x128xf32, #tpu.memory_space<vmem_shared>>) offsets(%dma_start3A_153 : memref<80xi32, #tpu.memory_space<vmem>>) semaphore(%run_scoped3A_147 : memref<!tpu.dma_semaphore, #tpu.memory_space<semaphore_mem>>) {add = true}
          %dma_wait3A_157 = arith.constant 0 : i32
          %dma_wait3A_158 = arith.constant 0 : i32
          %dma_wait3A_159 = tpu.memref_slice %arg9[%run_scoped3A, %dma_wait3A_157, %dma_wait3A_158] : memref<4x80x128xf32, #tpu.memory_space<vmem>> -> memref<1x80x128xf32, #tpu.memory_space<vmem>>
          %dma_wait3A_160 = tpu.memref_squeeze %dma_wait3A_159 : memref<1x80x128xf32, #tpu.memory_space<vmem>> -> memref<80x128xf32, #tpu.memory_space<vmem>>
          %dma_wait3A_161 = arith.constant 0 : i32
          %dma_wait3A_162 = tpu.memref_slice %arg6[%add3A_97, %dma_wait3A_161] : memref<40x80xi32, #tpu.memory_space<vmem>> -> memref<1x80xi32, #tpu.memory_space<vmem>>
          %dma_wait3A_163 = tpu.memref_squeeze %dma_wait3A_162 : memref<1x80xi32, #tpu.memory_space<vmem>> -> memref<80xi32, #tpu.memory_space<vmem>>
          %dma_wait3A_164 = arith.constant 0 : i32
          %dma_wait3A_165 = arith.constant 0 : i32
          %dma_wait3A_166 = tpu.memref_slice %arg11[%dma_wait3A_164, %dma_wait3A_165] : memref<1792x128xf32, #tpu.memory_space<vmem_shared>> -> memref<1792x128xf32, #tpu.memory_space<vmem_shared>>
          tpu.wait_indirect_dma semaphore(%run_scoped3A_147 : memref<!tpu.dma_semaphore, #tpu.memory_space<semaphore_mem>>) src(%dma_wait3A_160 : memref<80x128xf32, #tpu.memory_space<vmem>>) dst(%dma_wait3A_166 : memref<1792x128xf32, #tpu.memory_space<vmem_shared>>)
          tpu.yield
        }) : () -> ()
        %add3A_141 = arith.constant 4 : i32
        %add3A_142 = arith.addi %add3A_97, %add3A_141 : i32
        %lt3A_143 = arith.cmpi slt, %add3A_142, %add3A_7 : i32
        %convert_element_type3A_144 = arith.extui %lt3A_143 : i1 to i32
        %cond3A_145 = arith.constant 0 : i32
        %cond3A_146 = arith.cmpi ne, %convert_element_type3A_144, %cond3A_145 : i32
        scf.if %cond3A_146 {
          %add3A_147 = arith.constant 4 : i32
          %add3A_148 = arith.addi %add3A_97, %add3A_147 : i32
          %add3A_149 = arith.addi %add3A_4, %add3A_148 : i32
          %mul3A_150 = arith.constant 80 : i32
          %mul3A_151 = arith.muli %add3A_149, %mul3A_150 : i32
          %dma_start3A = arith.constant 0 : i32
          %dma_start3A_152 = arith.constant 0 : i32
          %dma_start3A_153 = arith.constant 0 : i32
          %dma_start3A_154 = tpu.memref_slice %arg9[%dma_start3A, %dma_start3A_152, %dma_start3A_153] : memref<4x80x128xf32, #tpu.memory_space<vmem>> -> memref<1x80x128xf32, #tpu.memory_space<vmem>>
          %dma_start3A_155 = tpu.memref_squeeze %dma_start3A_154 : memref<1x80x128xf32, #tpu.memory_space<vmem>> -> memref<80x128xf32, #tpu.memory_space<vmem>>
          %dma_start3A_156 = arith.constant 0 : i32
          %dma_start3A_157 = tpu.memref_slice %arg2[%mul3A_151, %dma_start3A_156] : memref<100000x128xf32, #tpu.memory_space<hbm>> -> memref<80x128xf32, #tpu.memory_space<hbm>>
          %dma_start3A_158 = arith.constant 0 : i32
          %dma_start3A_159 = arith.constant 0 : i32
          %dma_start3A_160 = tpu.memref_slice %arg9[%dma_start3A, %dma_start3A_158, %dma_start3A_159] : memref<4x80x128xf32, #tpu.memory_space<vmem>> -> memref<1x80x128xf32, #tpu.memory_space<vmem>>
          %dma_start3A_161 = tpu.memref_squeeze %dma_start3A_160 : memref<1x80x128xf32, #tpu.memory_space<vmem>> -> memref<80x128xf32, #tpu.memory_space<vmem>>
          %dma_start3A_162 = arith.constant 0 : i32
          %dma_start3A_163 = tpu.memref_slice %arg2[%mul3A_151, %dma_start3A_162] : memref<100000x128xf32, #tpu.memory_space<hbm>> -> memref<80x128xf32, #tpu.memory_space<hbm>>
          tpu.enqueue_dma source(%dma_start3A_163 : memref<80x128xf32, #tpu.memory_space<hbm>>) target(%dma_start3A_161 : memref<80x128xf32, #tpu.memory_space<vmem>>) target_semaphore(%arg12 : memref<!tpu.dma_semaphore, #tpu.memory_space<semaphore_mem>>)
        } else {
        }
      } else {
      }
      %mul3A_102 = arith.constant 4 : i32
      %mul3A_103 = arith.muli %scan3A_92, %mul3A_102 : i32
      %add3A_104 = arith.constant 1 : i32
      %add3A_105 = arith.addi %mul3A_103, %add3A_104 : i32
      %lt3A_106 = arith.cmpi slt, %add3A_105, %add3A_7 : i32
      %convert_element_type3A_107 = arith.extui %lt3A_106 : i1 to i32
      %cond3A_108 = arith.constant 0 : i32
      %cond3A_109 = arith.cmpi ne, %convert_element_type3A_107, %cond3A_108 : i32
      scf.if %cond3A_109 {
        %dma_wait3A = arith.constant 1 : i32
        %dma_wait3A_127 = arith.constant 0 : i32
        %dma_wait3A_128 = arith.constant 0 : i32
        %dma_wait3A_129 = tpu.memref_slice %arg9[%dma_wait3A, %dma_wait3A_127, %dma_wait3A_128] : memref<4x80x128xf32, #tpu.memory_space<vmem>> -> memref<1x80x128xf32, #tpu.memory_space<vmem>>
        %dma_wait3A_130 = tpu.memref_squeeze %dma_wait3A_129 : memref<1x80x128xf32, #tpu.memory_space<vmem>> -> memref<80x128xf32, #tpu.memory_space<vmem>>
        %dma_wait3A_131 = arith.constant 0 : i32
        %dma_wait3A_132 = arith.constant 0 : i32
        %dma_wait3A_133 = tpu.memref_slice %arg2[%dma_wait3A_131, %dma_wait3A_132] : memref<100000x128xf32, #tpu.memory_space<hbm>> -> memref<80x128xf32, #tpu.memory_space<hbm>>
        %dma_wait3A_134 = arith.constant 0 : i32
        %dma_wait3A_135 = arith.constant 0 : i32
        %dma_wait3A_136 = tpu.memref_slice %arg9[%dma_wait3A, %dma_wait3A_134, %dma_wait3A_135] : memref<4x80x128xf32, #tpu.memory_space<vmem>> -> memref<1x80x128xf32, #tpu.memory_space<vmem>>
        %dma_wait3A_137 = tpu.memref_squeeze %dma_wait3A_136 : memref<1x80x128xf32, #tpu.memory_space<vmem>> -> memref<80x128xf32, #tpu.memory_space<vmem>>
        %dma_wait3A_138 = arith.constant 0 : i32
        %dma_wait3A_139 = arith.constant 0 : i32
        %dma_wait3A_140 = tpu.memref_slice %arg2[%dma_wait3A_138, %dma_wait3A_139] : memref<100000x128xf32, #tpu.memory_space<hbm>> -> memref<80x128xf32, #tpu.memory_space<hbm>>
        tpu.wait_dma2 semaphore(%arg13 : memref<!tpu.dma_semaphore, #tpu.memory_space<semaphore_mem>>) src(%dma_wait3A_140 : memref<80x128xf32, #tpu.memory_space<hbm>>) dst(%dma_wait3A_137 : memref<80x128xf32, #tpu.memory_space<vmem>>)
        %run_scoped3A = arith.constant 1 : i32
        "tpu.region"() ({
          %run_scoped3A_147 = tpu.sem_alloc : memref<!tpu.dma_semaphore, #tpu.memory_space<semaphore_mem>>
          %dma_start3A = arith.constant 0 : i32
          %dma_start3A_148 = arith.constant 0 : i32
          %dma_start3A_149 = tpu.memref_slice %arg9[%run_scoped3A, %dma_start3A, %dma_start3A_148] : memref<4x80x128xf32, #tpu.memory_space<vmem>> -> memref<1x80x128xf32, #tpu.memory_space<vmem>>
          %dma_start3A_150 = tpu.memref_squeeze %dma_start3A_149 : memref<1x80x128xf32, #tpu.memory_space<vmem>> -> memref<80x128xf32, #tpu.memory_space<vmem>>
          %dma_start3A_151 = arith.constant 0 : i32
          %dma_start3A_152 = tpu.memref_slice %arg6[%add3A_105, %dma_start3A_151] : memref<40x80xi32, #tpu.memory_space<vmem>> -> memref<1x80xi32, #tpu.memory_space<vmem>>
          %dma_start3A_153 = tpu.memref_squeeze %dma_start3A_152 : memref<1x80xi32, #tpu.memory_space<vmem>> -> memref<80xi32, #tpu.memory_space<vmem>>
          %dma_start3A_154 = arith.constant 0 : i32
          %dma_start3A_155 = arith.constant 0 : i32
          %dma_start3A_156 = tpu.memref_slice %arg11[%dma_start3A_154, %dma_start3A_155] : memref<1792x128xf32, #tpu.memory_space<vmem_shared>> -> memref<1792x128xf32, #tpu.memory_space<vmem_shared>>
          tpu.enqueue_indirect_dma source(%dma_start3A_150 : memref<80x128xf32, #tpu.memory_space<vmem>>) target(%dma_start3A_156 : memref<1792x128xf32, #tpu.memory_space<vmem_shared>>) offsets(%dma_start3A_153 : memref<80xi32, #tpu.memory_space<vmem>>) semaphore(%run_scoped3A_147 : memref<!tpu.dma_semaphore, #tpu.memory_space<semaphore_mem>>) {add = true}
          %dma_wait3A_157 = arith.constant 0 : i32
          %dma_wait3A_158 = arith.constant 0 : i32
          %dma_wait3A_159 = tpu.memref_slice %arg9[%run_scoped3A, %dma_wait3A_157, %dma_wait3A_158] : memref<4x80x128xf32, #tpu.memory_space<vmem>> -> memref<1x80x128xf32, #tpu.memory_space<vmem>>
          %dma_wait3A_160 = tpu.memref_squeeze %dma_wait3A_159 : memref<1x80x128xf32, #tpu.memory_space<vmem>> -> memref<80x128xf32, #tpu.memory_space<vmem>>
          %dma_wait3A_161 = arith.constant 0 : i32
          %dma_wait3A_162 = tpu.memref_slice %arg6[%add3A_105, %dma_wait3A_161] : memref<40x80xi32, #tpu.memory_space<vmem>> -> memref<1x80xi32, #tpu.memory_space<vmem>>
          %dma_wait3A_163 = tpu.memref_squeeze %dma_wait3A_162 : memref<1x80xi32, #tpu.memory_space<vmem>> -> memref<80xi32, #tpu.memory_space<vmem>>
          %dma_wait3A_164 = arith.constant 0 : i32
          %dma_wait3A_165 = arith.constant 0 : i32
          %dma_wait3A_166 = tpu.memref_slice %arg11[%dma_wait3A_164, %dma_wait3A_165] : memref<1792x128xf32, #tpu.memory_space<vmem_shared>> -> memref<1792x128xf32, #tpu.memory_space<vmem_shared>>
          tpu.wait_indirect_dma semaphore(%run_scoped3A_147 : memref<!tpu.dma_semaphore, #tpu.memory_space<semaphore_mem>>) src(%dma_wait3A_160 : memref<80x128xf32, #tpu.memory_space<vmem>>) dst(%dma_wait3A_166 : memref<1792x128xf32, #tpu.memory_space<vmem_shared>>)
          tpu.yield
        }) : () -> ()
        %add3A_141 = arith.constant 4 : i32
        %add3A_142 = arith.addi %add3A_105, %add3A_141 : i32
        %lt3A_143 = arith.cmpi slt, %add3A_142, %add3A_7 : i32
        %convert_element_type3A_144 = arith.extui %lt3A_143 : i1 to i32
        %cond3A_145 = arith.constant 0 : i32
        %cond3A_146 = arith.cmpi ne, %convert_element_type3A_144, %cond3A_145 : i32
        scf.if %cond3A_146 {
          %add3A_147 = arith.constant 4 : i32
          %add3A_148 = arith.addi %add3A_105, %add3A_147 : i32
          %add3A_149 = arith.addi %add3A_4, %add3A_148 : i32
          %mul3A_150 = arith.constant 80 : i32
          %mul3A_151 = arith.muli %add3A_149, %mul3A_150 : i32
          %dma_start3A = arith.constant 1 : i32
          %dma_start3A_152 = arith.constant 0 : i32
          %dma_start3A_153 = arith.constant 0 : i32
          %dma_start3A_154 = tpu.memref_slice %arg9[%dma_start3A, %dma_start3A_152, %dma_start3A_153] : memref<4x80x128xf32, #tpu.memory_space<vmem>> -> memref<1x80x128xf32, #tpu.memory_space<vmem>>
          %dma_start3A_155 = tpu.memref_squeeze %dma_start3A_154 : memref<1x80x128xf32, #tpu.memory_space<vmem>> -> memref<80x128xf32, #tpu.memory_space<vmem>>
          %dma_start3A_156 = arith.constant 0 : i32
          %dma_start3A_157 = tpu.memref_slice %arg2[%mul3A_151, %dma_start3A_156] : memref<100000x128xf32, #tpu.memory_space<hbm>> -> memref<80x128xf32, #tpu.memory_space<hbm>>
          %dma_start3A_158 = arith.constant 0 : i32
          %dma_start3A_159 = arith.constant 0 : i32
          %dma_start3A_160 = tpu.memref_slice %arg9[%dma_start3A, %dma_start3A_158, %dma_start3A_159] : memref<4x80x128xf32, #tpu.memory_space<vmem>> -> memref<1x80x128xf32, #tpu.memory_space<vmem>>
          %dma_start3A_161 = tpu.memref_squeeze %dma_start3A_160 : memref<1x80x128xf32, #tpu.memory_space<vmem>> -> memref<80x128xf32, #tpu.memory_space<vmem>>
          %dma_start3A_162 = arith.constant 0 : i32
          %dma_start3A_163 = tpu.memref_slice %arg2[%mul3A_151, %dma_start3A_162] : memref<100000x128xf32, #tpu.memory_space<hbm>> -> memref<80x128xf32, #tpu.memory_space<hbm>>
          tpu.enqueue_dma source(%dma_start3A_163 : memref<80x128xf32, #tpu.memory_space<hbm>>) target(%dma_start3A_161 : memref<80x128xf32, #tpu.memory_space<vmem>>) target_semaphore(%arg13 : memref<!tpu.dma_semaphore, #tpu.memory_space<semaphore_mem>>)
        } else {
        }
      } else {
      }
      %mul3A_110 = arith.constant 4 : i32
      %mul3A_111 = arith.muli %scan3A_92, %mul3A_110 : i32
      %add3A_112 = arith.constant 2 : i32
      %add3A_113 = arith.addi %mul3A_111, %add3A_112 : i32
      %lt3A_114 = arith.cmpi slt, %add3A_113, %add3A_7 : i32
      %convert_element_type3A_115 = arith.extui %lt3A_114 : i1 to i32
      %cond3A_116 = arith.constant 0 : i32
      %cond3A_117 = arith.cmpi ne, %convert_element_type3A_115, %cond3A_116 : i32
      scf.if %cond3A_117 {
        %dma_wait3A = arith.constant 2 : i32
        %dma_wait3A_127 = arith.constant 0 : i32
        %dma_wait3A_128 = arith.constant 0 : i32
        %dma_wait3A_129 = tpu.memref_slice %arg9[%dma_wait3A, %dma_wait3A_127, %dma_wait3A_128] : memref<4x80x128xf32, #tpu.memory_space<vmem>> -> memref<1x80x128xf32, #tpu.memory_space<vmem>>
        %dma_wait3A_130 = tpu.memref_squeeze %dma_wait3A_129 : memref<1x80x128xf32, #tpu.memory_space<vmem>> -> memref<80x128xf32, #tpu.memory_space<vmem>>
        %dma_wait3A_131 = arith.constant 0 : i32
        %dma_wait3A_132 = arith.constant 0 : i32
        %dma_wait3A_133 = tpu.memref_slice %arg2[%dma_wait3A_131, %dma_wait3A_132] : memref<100000x128xf32, #tpu.memory_space<hbm>> -> memref<80x128xf32, #tpu.memory_space<hbm>>
        %dma_wait3A_134 = arith.constant 0 : i32
        %dma_wait3A_135 = arith.constant 0 : i32
        %dma_wait3A_136 = tpu.memref_slice %arg9[%dma_wait3A, %dma_wait3A_134, %dma_wait3A_135] : memref<4x80x128xf32, #tpu.memory_space<vmem>> -> memref<1x80x128xf32, #tpu.memory_space<vmem>>
        %dma_wait3A_137 = tpu.memref_squeeze %dma_wait3A_136 : memref<1x80x128xf32, #tpu.memory_space<vmem>> -> memref<80x128xf32, #tpu.memory_space<vmem>>
        %dma_wait3A_138 = arith.constant 0 : i32
        %dma_wait3A_139 = arith.constant 0 : i32
        %dma_wait3A_140 = tpu.memref_slice %arg2[%dma_wait3A_138, %dma_wait3A_139] : memref<100000x128xf32, #tpu.memory_space<hbm>> -> memref<80x128xf32, #tpu.memory_space<hbm>>
        tpu.wait_dma2 semaphore(%arg14 : memref<!tpu.dma_semaphore, #tpu.memory_space<semaphore_mem>>) src(%dma_wait3A_140 : memref<80x128xf32, #tpu.memory_space<hbm>>) dst(%dma_wait3A_137 : memref<80x128xf32, #tpu.memory_space<vmem>>)
        %run_scoped3A = arith.constant 2 : i32
        "tpu.region"() ({
          %run_scoped3A_147 = tpu.sem_alloc : memref<!tpu.dma_semaphore, #tpu.memory_space<semaphore_mem>>
          %dma_start3A = arith.constant 0 : i32
          %dma_start3A_148 = arith.constant 0 : i32
          %dma_start3A_149 = tpu.memref_slice %arg9[%run_scoped3A, %dma_start3A, %dma_start3A_148] : memref<4x80x128xf32, #tpu.memory_space<vmem>> -> memref<1x80x128xf32, #tpu.memory_space<vmem>>
          %dma_start3A_150 = tpu.memref_squeeze %dma_start3A_149 : memref<1x80x128xf32, #tpu.memory_space<vmem>> -> memref<80x128xf32, #tpu.memory_space<vmem>>
          %dma_start3A_151 = arith.constant 0 : i32
          %dma_start3A_152 = tpu.memref_slice %arg6[%add3A_113, %dma_start3A_151] : memref<40x80xi32, #tpu.memory_space<vmem>> -> memref<1x80xi32, #tpu.memory_space<vmem>>
          %dma_start3A_153 = tpu.memref_squeeze %dma_start3A_152 : memref<1x80xi32, #tpu.memory_space<vmem>> -> memref<80xi32, #tpu.memory_space<vmem>>
          %dma_start3A_154 = arith.constant 0 : i32
          %dma_start3A_155 = arith.constant 0 : i32
          %dma_start3A_156 = tpu.memref_slice %arg11[%dma_start3A_154, %dma_start3A_155] : memref<1792x128xf32, #tpu.memory_space<vmem_shared>> -> memref<1792x128xf32, #tpu.memory_space<vmem_shared>>
          tpu.enqueue_indirect_dma source(%dma_start3A_150 : memref<80x128xf32, #tpu.memory_space<vmem>>) target(%dma_start3A_156 : memref<1792x128xf32, #tpu.memory_space<vmem_shared>>) offsets(%dma_start3A_153 : memref<80xi32, #tpu.memory_space<vmem>>) semaphore(%run_scoped3A_147 : memref<!tpu.dma_semaphore, #tpu.memory_space<semaphore_mem>>) {add = true}
          %dma_wait3A_157 = arith.constant 0 : i32
          %dma_wait3A_158 = arith.constant 0 : i32
          %dma_wait3A_159 = tpu.memref_slice %arg9[%run_scoped3A, %dma_wait3A_157, %dma_wait3A_158] : memref<4x80x128xf32, #tpu.memory_space<vmem>> -> memref<1x80x128xf32, #tpu.memory_space<vmem>>
          %dma_wait3A_160 = tpu.memref_squeeze %dma_wait3A_159 : memref<1x80x128xf32, #tpu.memory_space<vmem>> -> memref<80x128xf32, #tpu.memory_space<vmem>>
          %dma_wait3A_161 = arith.constant 0 : i32
          %dma_wait3A_162 = tpu.memref_slice %arg6[%add3A_113, %dma_wait3A_161] : memref<40x80xi32, #tpu.memory_space<vmem>> -> memref<1x80xi32, #tpu.memory_space<vmem>>
          %dma_wait3A_163 = tpu.memref_squeeze %dma_wait3A_162 : memref<1x80xi32, #tpu.memory_space<vmem>> -> memref<80xi32, #tpu.memory_space<vmem>>
          %dma_wait3A_164 = arith.constant 0 : i32
          %dma_wait3A_165 = arith.constant 0 : i32
          %dma_wait3A_166 = tpu.memref_slice %arg11[%dma_wait3A_164, %dma_wait3A_165] : memref<1792x128xf32, #tpu.memory_space<vmem_shared>> -> memref<1792x128xf32, #tpu.memory_space<vmem_shared>>
          tpu.wait_indirect_dma semaphore(%run_scoped3A_147 : memref<!tpu.dma_semaphore, #tpu.memory_space<semaphore_mem>>) src(%dma_wait3A_160 : memref<80x128xf32, #tpu.memory_space<vmem>>) dst(%dma_wait3A_166 : memref<1792x128xf32, #tpu.memory_space<vmem_shared>>)
          tpu.yield
        }) : () -> ()
        %add3A_141 = arith.constant 4 : i32
        %add3A_142 = arith.addi %add3A_113, %add3A_141 : i32
        %lt3A_143 = arith.cmpi slt, %add3A_142, %add3A_7 : i32
        %convert_element_type3A_144 = arith.extui %lt3A_143 : i1 to i32
        %cond3A_145 = arith.constant 0 : i32
        %cond3A_146 = arith.cmpi ne, %convert_element_type3A_144, %cond3A_145 : i32
        scf.if %cond3A_146 {
          %add3A_147 = arith.constant 4 : i32
          %add3A_148 = arith.addi %add3A_113, %add3A_147 : i32
          %add3A_149 = arith.addi %add3A_4, %add3A_148 : i32
          %mul3A_150 = arith.constant 80 : i32
          %mul3A_151 = arith.muli %add3A_149, %mul3A_150 : i32
          %dma_start3A = arith.constant 2 : i32
          %dma_start3A_152 = arith.constant 0 : i32
          %dma_start3A_153 = arith.constant 0 : i32
          %dma_start3A_154 = tpu.memref_slice %arg9[%dma_start3A, %dma_start3A_152, %dma_start3A_153] : memref<4x80x128xf32, #tpu.memory_space<vmem>> -> memref<1x80x128xf32, #tpu.memory_space<vmem>>
          %dma_start3A_155 = tpu.memref_squeeze %dma_start3A_154 : memref<1x80x128xf32, #tpu.memory_space<vmem>> -> memref<80x128xf32, #tpu.memory_space<vmem>>
          %dma_start3A_156 = arith.constant 0 : i32
          %dma_start3A_157 = tpu.memref_slice %arg2[%mul3A_151, %dma_start3A_156] : memref<100000x128xf32, #tpu.memory_space<hbm>> -> memref<80x128xf32, #tpu.memory_space<hbm>>
          %dma_start3A_158 = arith.constant 0 : i32
          %dma_start3A_159 = arith.constant 0 : i32
          %dma_start3A_160 = tpu.memref_slice %arg9[%dma_start3A, %dma_start3A_158, %dma_start3A_159] : memref<4x80x128xf32, #tpu.memory_space<vmem>> -> memref<1x80x128xf32, #tpu.memory_space<vmem>>
          %dma_start3A_161 = tpu.memref_squeeze %dma_start3A_160 : memref<1x80x128xf32, #tpu.memory_space<vmem>> -> memref<80x128xf32, #tpu.memory_space<vmem>>
          %dma_start3A_162 = arith.constant 0 : i32
          %dma_start3A_163 = tpu.memref_slice %arg2[%mul3A_151, %dma_start3A_162] : memref<100000x128xf32, #tpu.memory_space<hbm>> -> memref<80x128xf32, #tpu.memory_space<hbm>>
          tpu.enqueue_dma source(%dma_start3A_163 : memref<80x128xf32, #tpu.memory_space<hbm>>) target(%dma_start3A_161 : memref<80x128xf32, #tpu.memory_space<vmem>>) target_semaphore(%arg14 : memref<!tpu.dma_semaphore, #tpu.memory_space<semaphore_mem>>)
        } else {
        }
      } else {
      }
      %mul3A_118 = arith.constant 4 : i32
      %mul3A_119 = arith.muli %scan3A_92, %mul3A_118 : i32
      %add3A_120 = arith.constant 3 : i32
      %add3A_121 = arith.addi %mul3A_119, %add3A_120 : i32
      %lt3A_122 = arith.cmpi slt, %add3A_121, %add3A_7 : i32
      %convert_element_type3A_123 = arith.extui %lt3A_122 : i1 to i32
      %cond3A_124 = arith.constant 0 : i32
      %cond3A_125 = arith.cmpi ne, %convert_element_type3A_123, %cond3A_124 : i32
      scf.if %cond3A_125 {
        %dma_wait3A = arith.constant 3 : i32
        %dma_wait3A_127 = arith.constant 0 : i32
        %dma_wait3A_128 = arith.constant 0 : i32
        %dma_wait3A_129 = tpu.memref_slice %arg9[%dma_wait3A, %dma_wait3A_127, %dma_wait3A_128] : memref<4x80x128xf32, #tpu.memory_space<vmem>> -> memref<1x80x128xf32, #tpu.memory_space<vmem>>
        %dma_wait3A_130 = tpu.memref_squeeze %dma_wait3A_129 : memref<1x80x128xf32, #tpu.memory_space<vmem>> -> memref<80x128xf32, #tpu.memory_space<vmem>>
        %dma_wait3A_131 = arith.constant 0 : i32
        %dma_wait3A_132 = arith.constant 0 : i32
        %dma_wait3A_133 = tpu.memref_slice %arg2[%dma_wait3A_131, %dma_wait3A_132] : memref<100000x128xf32, #tpu.memory_space<hbm>> -> memref<80x128xf32, #tpu.memory_space<hbm>>
        %dma_wait3A_134 = arith.constant 0 : i32
        %dma_wait3A_135 = arith.constant 0 : i32
        %dma_wait3A_136 = tpu.memref_slice %arg9[%dma_wait3A, %dma_wait3A_134, %dma_wait3A_135] : memref<4x80x128xf32, #tpu.memory_space<vmem>> -> memref<1x80x128xf32, #tpu.memory_space<vmem>>
        %dma_wait3A_137 = tpu.memref_squeeze %dma_wait3A_136 : memref<1x80x128xf32, #tpu.memory_space<vmem>> -> memref<80x128xf32, #tpu.memory_space<vmem>>
        %dma_wait3A_138 = arith.constant 0 : i32
        %dma_wait3A_139 = arith.constant 0 : i32
        %dma_wait3A_140 = tpu.memref_slice %arg2[%dma_wait3A_138, %dma_wait3A_139] : memref<100000x128xf32, #tpu.memory_space<hbm>> -> memref<80x128xf32, #tpu.memory_space<hbm>>
        tpu.wait_dma2 semaphore(%arg15 : memref<!tpu.dma_semaphore, #tpu.memory_space<semaphore_mem>>) src(%dma_wait3A_140 : memref<80x128xf32, #tpu.memory_space<hbm>>) dst(%dma_wait3A_137 : memref<80x128xf32, #tpu.memory_space<vmem>>)
        %run_scoped3A = arith.constant 3 : i32
        "tpu.region"() ({
          %run_scoped3A_147 = tpu.sem_alloc : memref<!tpu.dma_semaphore, #tpu.memory_space<semaphore_mem>>
          %dma_start3A = arith.constant 0 : i32
          %dma_start3A_148 = arith.constant 0 : i32
          %dma_start3A_149 = tpu.memref_slice %arg9[%run_scoped3A, %dma_start3A, %dma_start3A_148] : memref<4x80x128xf32, #tpu.memory_space<vmem>> -> memref<1x80x128xf32, #tpu.memory_space<vmem>>
          %dma_start3A_150 = tpu.memref_squeeze %dma_start3A_149 : memref<1x80x128xf32, #tpu.memory_space<vmem>> -> memref<80x128xf32, #tpu.memory_space<vmem>>
          %dma_start3A_151 = arith.constant 0 : i32
          %dma_start3A_152 = tpu.memref_slice %arg6[%add3A_121, %dma_start3A_151] : memref<40x80xi32, #tpu.memory_space<vmem>> -> memref<1x80xi32, #tpu.memory_space<vmem>>
          %dma_start3A_153 = tpu.memref_squeeze %dma_start3A_152 : memref<1x80xi32, #tpu.memory_space<vmem>> -> memref<80xi32, #tpu.memory_space<vmem>>
          %dma_start3A_154 = arith.constant 0 : i32
          %dma_start3A_155 = arith.constant 0 : i32
          %dma_start3A_156 = tpu.memref_slice %arg11[%dma_start3A_154, %dma_start3A_155] : memref<1792x128xf32, #tpu.memory_space<vmem_shared>> -> memref<1792x128xf32, #tpu.memory_space<vmem_shared>>
          tpu.enqueue_indirect_dma source(%dma_start3A_150 : memref<80x128xf32, #tpu.memory_space<vmem>>) target(%dma_start3A_156 : memref<1792x128xf32, #tpu.memory_space<vmem_shared>>) offsets(%dma_start3A_153 : memref<80xi32, #tpu.memory_space<vmem>>) semaphore(%run_scoped3A_147 : memref<!tpu.dma_semaphore, #tpu.memory_space<semaphore_mem>>) {add = true}
          %dma_wait3A_157 = arith.constant 0 : i32
          %dma_wait3A_158 = arith.constant 0 : i32
          %dma_wait3A_159 = tpu.memref_slice %arg9[%run_scoped3A, %dma_wait3A_157, %dma_wait3A_158] : memref<4x80x128xf32, #tpu.memory_space<vmem>> -> memref<1x80x128xf32, #tpu.memory_space<vmem>>
          %dma_wait3A_160 = tpu.memref_squeeze %dma_wait3A_159 : memref<1x80x128xf32, #tpu.memory_space<vmem>> -> memref<80x128xf32, #tpu.memory_space<vmem>>
          %dma_wait3A_161 = arith.constant 0 : i32
          %dma_wait3A_162 = tpu.memref_slice %arg6[%add3A_121, %dma_wait3A_161] : memref<40x80xi32, #tpu.memory_space<vmem>> -> memref<1x80xi32, #tpu.memory_space<vmem>>
          %dma_wait3A_163 = tpu.memref_squeeze %dma_wait3A_162 : memref<1x80xi32, #tpu.memory_space<vmem>> -> memref<80xi32, #tpu.memory_space<vmem>>
          %dma_wait3A_164 = arith.constant 0 : i32
          %dma_wait3A_165 = arith.constant 0 : i32
          %dma_wait3A_166 = tpu.memref_slice %arg11[%dma_wait3A_164, %dma_wait3A_165] : memref<1792x128xf32, #tpu.memory_space<vmem_shared>> -> memref<1792x128xf32, #tpu.memory_space<vmem_shared>>
          tpu.wait_indirect_dma semaphore(%run_scoped3A_147 : memref<!tpu.dma_semaphore, #tpu.memory_space<semaphore_mem>>) src(%dma_wait3A_160 : memref<80x128xf32, #tpu.memory_space<vmem>>) dst(%dma_wait3A_166 : memref<1792x128xf32, #tpu.memory_space<vmem_shared>>)
          tpu.yield
        }) : () -> ()
        %add3A_141 = arith.constant 4 : i32
        %add3A_142 = arith.addi %add3A_121, %add3A_141 : i32
        %lt3A_143 = arith.cmpi slt, %add3A_142, %add3A_7 : i32
        %convert_element_type3A_144 = arith.extui %lt3A_143 : i1 to i32
        %cond3A_145 = arith.constant 0 : i32
        %cond3A_146 = arith.cmpi ne, %convert_element_type3A_144, %cond3A_145 : i32
        scf.if %cond3A_146 {
          %add3A_147 = arith.constant 4 : i32
          %add3A_148 = arith.addi %add3A_121, %add3A_147 : i32
          %add3A_149 = arith.addi %add3A_4, %add3A_148 : i32
          %mul3A_150 = arith.constant 80 : i32
          %mul3A_151 = arith.muli %add3A_149, %mul3A_150 : i32
          %dma_start3A = arith.constant 3 : i32
          %dma_start3A_152 = arith.constant 0 : i32
          %dma_start3A_153 = arith.constant 0 : i32
          %dma_start3A_154 = tpu.memref_slice %arg9[%dma_start3A, %dma_start3A_152, %dma_start3A_153] : memref<4x80x128xf32, #tpu.memory_space<vmem>> -> memref<1x80x128xf32, #tpu.memory_space<vmem>>
          %dma_start3A_155 = tpu.memref_squeeze %dma_start3A_154 : memref<1x80x128xf32, #tpu.memory_space<vmem>> -> memref<80x128xf32, #tpu.memory_space<vmem>>
          %dma_start3A_156 = arith.constant 0 : i32
          %dma_start3A_157 = tpu.memref_slice %arg2[%mul3A_151, %dma_start3A_156] : memref<100000x128xf32, #tpu.memory_space<hbm>> -> memref<80x128xf32, #tpu.memory_space<hbm>>
          %dma_start3A_158 = arith.constant 0 : i32
          %dma_start3A_159 = arith.constant 0 : i32
          %dma_start3A_160 = tpu.memref_slice %arg9[%dma_start3A, %dma_start3A_158, %dma_start3A_159] : memref<4x80x128xf32, #tpu.memory_space<vmem>> -> memref<1x80x128xf32, #tpu.memory_space<vmem>>
          %dma_start3A_161 = tpu.memref_squeeze %dma_start3A_160 : memref<1x80x128xf32, #tpu.memory_space<vmem>> -> memref<80x128xf32, #tpu.memory_space<vmem>>
          %dma_start3A_162 = arith.constant 0 : i32
          %dma_start3A_163 = tpu.memref_slice %arg2[%mul3A_151, %dma_start3A_162] : memref<100000x128xf32, #tpu.memory_space<hbm>> -> memref<80x128xf32, #tpu.memory_space<hbm>>
          tpu.enqueue_dma source(%dma_start3A_163 : memref<80x128xf32, #tpu.memory_space<hbm>>) target(%dma_start3A_161 : memref<80x128xf32, #tpu.memory_space<vmem>>) target_semaphore(%arg15 : memref<!tpu.dma_semaphore, #tpu.memory_space<semaphore_mem>>)
        } else {
        }
      } else {
      }
      %scan3A_126 = arith.constant 0 : i32
      scf.yield %scan3A_126 : i32
    }
    %scan3A_86 = arith.constant 10 : i32
    %barrier3A_87 = arith.constant 0 : index
    tpu.barrier barrier_id(%barrier3A_87)
    %mul3A_88 = arith.constant 112 : i32
    %mul3A_89 = arith.muli %arg1, %mul3A_88 : i32
    %mul3A_90 = arith.constant 112 : i32
    %mul3A_91 = arith.muli %arg1, %mul3A_90 : i32
    "tpu.region"() ({
      %run_scoped3A = tpu.sem_alloc : memref<!tpu.dma_semaphore, #tpu.memory_space<semaphore_mem>>
      %dma_start3A = arith.constant 0 : i32
      %dma_start3A_92 = tpu.memref_slice %arg5[%arg0, %mul3A_91, %dma_start3A] : memref<2x1792x128xf32, #tpu.memory_space<hbm>> -> memref<1x112x128xf32, #tpu.memory_space<hbm>>
      %dma_start3A_93 = tpu.memref_squeeze %dma_start3A_92 : memref<1x112x128xf32, #tpu.memory_space<hbm>> -> memref<112x128xf32, #tpu.memory_space<hbm>>
      %dma_start3A_94 = arith.constant 0 : i32
      %dma_start3A_95 = tpu.memref_slice %arg11[%mul3A_89, %dma_start3A_94] : memref<1792x128xf32, #tpu.memory_space<vmem_shared>> -> memref<112x128xf32, #tpu.memory_space<vmem_shared>>
      tpu.enqueue_dma source(%dma_start3A_95 : memref<112x128xf32, #tpu.memory_space<vmem_shared>>) target(%dma_start3A_93 : memref<112x128xf32, #tpu.memory_space<hbm>>) target_semaphore(%run_scoped3A : memref<!tpu.dma_semaphore, #tpu.memory_space<semaphore_mem>>)
      %dma_wait3A = arith.constant 0 : i32
      %dma_wait3A_96 = tpu.memref_slice %arg5[%arg0, %mul3A_91, %dma_wait3A] : memref<2x1792x128xf32, #tpu.memory_space<hbm>> -> memref<1x112x128xf32, #tpu.memory_space<hbm>>
      %dma_wait3A_97 = tpu.memref_squeeze %dma_wait3A_96 : memref<1x112x128xf32, #tpu.memory_space<hbm>> -> memref<112x128xf32, #tpu.memory_space<hbm>>
      %dma_wait3A_98 = arith.constant 0 : i32
      %dma_wait3A_99 = tpu.memref_slice %arg11[%mul3A_89, %dma_wait3A_98] : memref<1792x128xf32, #tpu.memory_space<vmem_shared>> -> memref<112x128xf32, #tpu.memory_space<vmem_shared>>
      tpu.wait_dma2 semaphore(%run_scoped3A : memref<!tpu.dma_semaphore, #tpu.memory_space<semaphore_mem>>) src(%dma_wait3A_99 : memref<112x128xf32, #tpu.memory_space<vmem_shared>>) dst(%dma_wait3A_97 : memref<112x128xf32, #tpu.memory_space<hbm>>)
      tpu.yield
    }) : () -> ()
    return
  }
}

module attributes {stable_mosaic.version = 14 : i64} {
  func.func @_hist_body(%arg0: i32, %arg1: memref<1x1x2500xi32, #tpu.memory_space<vmem>>, %arg2: memref<256x128xf32, #tpu.memory_space<vmem>>) attributes {dimension_semantics = [#tpu.dimension_semantics<arbitrary>], iteration_bounds = array<i64: 40>, scalar_prefetch = 0 : i64, scratch_operands = 0 : i64, tpu.core_type = #tpu.core_type<tc>, window_params = [{transform_indices = @transform_0, window_bounds = array<i64: 1, 1, 2500>}, {pipeline_mode = #tpu.pipeline_mode<synchronous>, transform_indices = @transform_1, window_bounds = array<i64: 256, 128>}]} {
    %eq3A = arith.constant 0 : i32
    %eq3A_0 = arith.cmpi eq, %arg0, %eq3A : i32
    %convert_element_type3A = arith.extui %eq3A_0 : i1 to i32
    %cond3A = arith.constant 0 : i32
    %cond3A_1 = arith.cmpi ne, %convert_element_type3A, %cond3A : i32
    scf.if %cond3A_1 {
      %broadcast_in_dim3A_18 = arith.constant 0.000000e+00 : f32
      %broadcast_in_dim3A_19 = vector.broadcast %broadcast_in_dim3A_18 : f32 to vector<256x128xf32>
      %swap3A_20 = arith.constant 0 : index
      %swap3A_21 = arith.constant 0 : index
      %swap3A_22 = vector.load %arg2[%swap3A_20, %swap3A_21] : memref<256x128xf32, #tpu.memory_space<vmem>>, vector<256x128xf32>
      tpu.vector_store %arg2[%swap3A_20, %swap3A_21], %broadcast_in_dim3A_19 {strides = array<i32>} : memref<256x128xf32, #tpu.memory_space<vmem>>, vector<256x128xf32>,
    } else {
    }
    %get3A = arith.constant 0 : index
    %get3A_2 = arith.constant 0 : index
    %get3A_3 = arith.constant 0 : index
    %get3A_4 = vector.load %arg1[%get3A, %get3A_2, %get3A_3] : memref<1x1x2500xi32, #tpu.memory_space<vmem>>, vector<1x1x2500xi32>
    %get3A_5 = vector.shape_cast %get3A_4 : vector<1x1x2500xi32> to vector<1x2500xi32>
    %iota3A = tpu.iota {dimensions = array<i32: 0>} : vector<256x2500xi32>
    %eq3A_6 = vector.broadcast %get3A_5 : vector<1x2500xi32> to vector<256x2500xi32>
    %eq3A_7 = arith.cmpi eq, %eq3A_6, %iota3A : vector<256x2500xi32>
    %convert_element_type3A_8 = arith.extui %eq3A_7 : vector<256x2500xi1> to vector<256x2500xi32>
    %convert_element_type3A_9 = arith.sitofp %convert_element_type3A_8 : vector<256x2500xi32> to vector<256x2500xf32>
    %reduce_sum3A = arith.constant dense<0.000000e+00> : vector<256xf32>
    %reduce_sum3A_10 = vector.multi_reduction <add>, %convert_element_type3A_9, %reduce_sum3A [1] : vector<256x2500xf32> to vector<256xf32>
    %broadcast_in_dim3A = vector.shape_cast %reduce_sum3A_10 : vector<256xf32> to vector<256x1xf32>
    %get3A_11 = arith.constant 0 : index
    %get3A_12 = arith.constant 0 : index
    %get3A_13 = vector.load %arg2[%get3A_11, %get3A_12] : memref<256x128xf32, #tpu.memory_space<vmem>>, vector<256x128xf32>
    %broadcast_in_dim3A_14 = vector.shape_cast %broadcast_in_dim3A : vector<256x1xf32> to vector<256x1xf32>
    %broadcast_in_dim3A_15 = vector.broadcast %broadcast_in_dim3A_14 : vector<256x1xf32> to vector<256x128xf32>
    %add3A = arith.addf %get3A_13, %broadcast_in_dim3A_15 : vector<256x128xf32>
    %swap3A = arith.constant 0 : index
    %swap3A_16 = arith.constant 0 : index
    %swap3A_17 = vector.load %arg2[%swap3A, %swap3A_16] : memref<256x128xf32, #tpu.memory_space<vmem>>, vector<256x128xf32>
    tpu.vector_store %arg2[%swap3A, %swap3A_16], %add3A {strides = array<i32>} : memref<256x128xf32, #tpu.memory_space<vmem>>, vector<256x128xf32>,
    return
  }
  func.func @transform_0(%arg0: i32) -> (i32, i32, i32) {
    %c0_i32 = arith.constant 0 : i32
    %c0_i32_0 = arith.constant 0 : i32
    %c0_i32_1 = arith.constant 0 : i32
    return %arg0, %c0_i32, %c0_i32_0 : i32, i32, i32
  }
  func.func @transform_1(%arg0: i32) -> (i32, i32) {
    %c0_i32 = arith.constant 0 : i32
    %c0_i32_0 = arith.constant 0 : i32
    %c0_i32_1 = arith.constant 0 : i32
    return %c0_i32, %c0_i32_0 : i32, i32
  }
}

module attributes {stable_mosaic.version = 14 : i64} {
  func.func @_finalize_body(%arg0: memref<256x896xf32, #tpu.memory_space<vmem>>, %arg1: memref<256x896xf32, #tpu.memory_space<vmem>>, %arg2: memref<256x128xf32, #tpu.memory_space<vmem>>, %arg3: memref<256x896xf32, #tpu.memory_space<vmem>>) attributes {dimension_semantics = [], scalar_prefetch = 0 : i64, scratch_operands = 0 : i64, tpu.core_type = #tpu.core_type<tc>} {
    %get3A = arith.constant 0 : index
    %get3A_0 = arith.constant 0 : index
    %get3A_1 = vector.load %arg2[%get3A, %get3A_0] : memref<256x128xf32, #tpu.memory_space<vmem>>, vector<256x1xf32>
    %max3A = arith.constant 1.000000e+00 : f32
    %max3A_2 = vector.broadcast %max3A : f32 to vector<256x1xf32>
    %max3A_3 = arith.maximumf %get3A_1, %max3A_2 : vector<256x1xf32>
    %get3A_4 = arith.constant 0 : index
    %get3A_5 = arith.constant 0 : index
    %get3A_6 = vector.load %arg0[%get3A_4, %get3A_5] : memref<256x896xf32, #tpu.memory_space<vmem>>, vector<256x896xf32>
    %get3A_7 = arith.constant 0 : index
    %get3A_8 = arith.constant 0 : index
    %get3A_9 = vector.load %arg1[%get3A_7, %get3A_8] : memref<256x896xf32, #tpu.memory_space<vmem>>, vector<256x896xf32>
    %add3A = arith.addf %get3A_6, %get3A_9 : vector<256x896xf32>
    %div3A = vector.broadcast %max3A_3 : vector<256x1xf32> to vector<256x896xf32>
    %div3A_10 = arith.divf %add3A, %div3A : vector<256x896xf32>
    %swap3A = arith.constant 0 : index
    %swap3A_11 = arith.constant 0 : index
    %swap3A_12 = vector.load %arg3[%swap3A, %swap3A_11] : memref<256x896xf32, #tpu.memory_space<vmem>>, vector<256x896xf32>
    tpu.vector_store %arg3[%swap3A, %swap3A_11], %div3A_10 {strides = array<i32>} : memref<256x896xf32, #tpu.memory_space<vmem>>, vector<256x896xf32>,
    return
  }
}

</mosaic_0001>

<sc_bundles>
// kernel: _run.5.cloned.1.call-start
scs
__scs_entry_jumppad:
0x0: {  	(pc) =	sbr.rel $0x88, $3  }
0x1: {  	(tag) =	ssettag $0x0;
	lr =	simm.s32 $0x1  }
0x2: {  	[smem:$0x3F9E] =	sst lr;
	_ =	strace $0xD0000000  }
0x3: {  	_ = 	snop  }
0x4: {  	_ = 	snop  }
0x5: {  	_ = 	snop  }
0x6: {  	_ = 	snop  }
0x7: {  	_ = 	snop  }
__scs_overlays_trampoline_lowered:
0x8: {  	[smem:$0x3FAD] =	sst s0  }
0x9: {  	[smem:$0x3FAE] =	sst s1  }
0xa: {  	[smem:$0x3FAF] =	sst s2  }
0xb: {  	[smem:$0x3FB0] =	sst s3  }
0xc: {  	[smem:$0x3FB1] =	sst s4  }
0xd: {  	[smem:$0x3FB2] =	sst s5  }
0xe: {  	[smem:$0x3FB3] =	sst s6  }
0xf: {  	[smem:$0x3FB4] =	sst s7  }
0x10: {  	[smem:$0x3FB5] =	sst s8  }
0x11: {  	[smem:$0x3FB6] =	sst s9;
	s0 =	simm.s32 @!p0 $0x0  }
0x12: {  	s1 =	sld [smem:$0x3F9C];
	s0 =	simm.s32 @p0 $0x1  }
0x13: {  	[smem:$0x3FB7] =	sst s0;
	s0 =	simm.s32 @!p1 $0x0  }
0x14: {  	s2 =	sld [smem:$0x3F9B];
	s0 =	simm.s32 @p1 $0x1  }
0x15: {  	[smem:$0x3FB8] =	sst s0;
	s0 =	simm.s32 @!p2 $0x0  }
0x16: {  	s3 =	sld [smem:$0x3FDB];
	s0 =	simm.s32 @p2 $0x1  }
0x17: {  	s4 =	simm.s32 $0x1BF5;
	[smem:$0x3FBA] =	sst s0  }
0x18: {  	s0 =	sld [smem:$0x3F9D];
	_ =	swait.ge [sflag:s4], $0x0  }
0x19: {  	s7 =	sld [smem:$0x3F9E]  }
0x1a: {  	s8 =	sadd.s32 $0xFFFFE003, lr  }
0x1b: {  	s9 =	sadd.s32 $0xFFFFFEF7, lr;
	s5 =	simm.s32 $0xFFFFFFFF;
	p2 =	slt.u32 s8, $0xFFFFF086  }
0x1c: {  	p1 =	slt.u32 s9, $0xF7A;
	s5 =	simm.s32 @!p2 $0x0  }
0x1d: {  	s5 =	simm.s32 @p1 $0x1;
	p0 =	seq.s32 s7, s2  }
0x1e: {  	s7 =	smul.u32 @!p0 $0xF7A, s2;
	p2 =	seq.s32 @!p0 s5, $0x0  }
0x1f: {  	s9 =	smul.u32 $0xF7A, s1;
	s8 =	simm.s32 @!p0 $0x1BF5;
	p2 =	por !p2, p0  }
0x20: {  	[sflag:s8] =	ssyncset.s32 @!p0 $0xFFFFF086;
	s6 =	sadd.s32 @!p0 s3, s7;
	s7 =	simm.s32 @!p0 $0x108  }
0x21: {  	s3 =	sadd.s32 s3, s9;
	s6 =	sadd.s32 @!p0 $0x88, s6;
	s7 =	simm.s32 @p2 $0x1082  }
0x22: {  	[simem:s7], [sflag:s8] =	dma.local @!p0 [hbm:s6], $0xF7A  }
0x23: {  	s9 =	sor.u32 $0xD0000000, s2;
	s6 =	simm.s32 $0x108;
	_ =	swait.ge @!p0 [sflag:s8], $0x0  }
0x24: {  	s3 =	sadd.s32 $0x88, s3;
	s6 =	simm.s32 @!p1 $0x1082;
	[sflag:s4] =	ssyncset.s32 $0xFFFFF086  }
0x25: {  	[simem:s6], [sflag:s4] =	dma.local [hbm:s3], $0xF7A  }
0x26: {  	[smem:$0x3F9E] =	sst s1;
	(tag) =	ssettag s2;
	_ =	strace s9  }
0x27: {  	s1 =	sld [smem:$0x3FAE]  }
0x28: {  	s2 =	sld [smem:$0x3FAF]  }
0x29: {  	s4 =	sld [smem:$0x3FB1]  }
0x2a: {  	p0 =	seq.s32 s5, $0x0;
	s5 =	sld [smem:$0x3FB2]  }
0x2b: {  	s6 =	sld [smem:$0x3FB3]  }
0x2c: {  	s7 =	sld [smem:$0x3FB4]  }
0x2d: {  	s3 =	simm.s32 $0x108;
	s8 =	sld [smem:$0x3FB5]  }
0x2e: {  	s3 =	simm.s32 @!p0 $0x1082;
	s9 =	sld [smem:$0x3FB6]  }
0x2f: {  	lr =	sadd.s32 s0, s3;
	s0 =	sld [smem:$0x3FAD]  }
0x30: {  	s3 =	sld [smem:$0x3FB0]  }
0x31: {  	[smem:$0x3FB9] =	sst s10  }
0x32: {  	s10 =	sld [smem:$0x3FB7];
	_ =	sdelay $0x3  }
0x33: {  	p0 =	seq.s32 s10, $0x1;
	s10 =	sld [smem:$0x3FB9];
	_ =	sdelay $0x3  }
0x34: {  	[smem:$0x3FB9] =	sst s10  }
0x35: {  	s10 =	sld [smem:$0x3FB8];
	_ =	sdelay $0x3  }
0x36: {  	p1 =	seq.s32 s10, $0x1;
	s10 =	sld [smem:$0x3FB9];
	_ =	sdelay $0x3  }
0x37: {  	[smem:$0x3FB9] =	sst s10  }
0x38: {  	s10 =	sld [smem:$0x3FBA]  }
0x39: {  	_ = 	snop;
	(pc) =	sbr.ind lr, $3  }
0x3a: {  	_ = 	snop  }
0x3b: {  	_ = 	snop  }
0x3c: {  	p2 =	seq.s32 s10, $0x1;
	s10 =	sld [smem:$0x3FB9]  }
0x3d: {  	_ =	shalt  }
0x3e: {  	_ =	shalt  }
0x3f: {  	_ =	shalt  }
0x40: {  	_ =	shalt  }
0x41: {  	_ =	shalt  }
0x42: {  	_ =	shalt  }
0x43: {  	_ =	shalt  }
0x44: {  	_ =	shalt  }
0x45: {  	_ =	shalt  }
0x46: {  	_ =	shalt  }
0x47: {  	_ =	shalt  }
0x48: {  	_ =	shalt  }
0x49: {  	_ =	shalt  }
0x4a: {  	_ =	shalt  }
0x4b: {  	_ =	shalt  }
0x4c: {  	_ =	shalt  }
0x4d: {  	_ =	shalt  }
0x4e: {  	_ =	shalt  }
0x4f: {  	_ =	shalt  }
0x50: {  	_ =	shalt  }
0x51: {  	_ =	shalt  }
0x52: {  	_ =	shalt  }
0x53: {  	_ =	shalt  }
0x54: {  	_ =	shalt  }
0x55: {  	_ =	shalt  }
0x56: {  	_ =	shalt  }
0x57: {  	_ =	shalt  }
0x58: {  	_ =	shalt  }
0x59: {  	_ =	shalt  }
0x5a: {  	_ =	shalt  }
0x5b: {  	_ =	shalt  }
0x5c: {  	_ =	shalt  }
0x5d: {  	_ =	shalt  }
0x5e: {  	_ =	shalt  }
0x5f: {  	_ =	shalt  }
0x60: {  	_ =	shalt  }
0x61: {  	_ =	shalt  }
0x62: {  	_ =	shalt  }
0x63: {  	_ =	shalt  }
0x64: {  	_ =	shalt  }
0x65: {  	_ =	shalt  }
0x66: {  	_ =	shalt  }
0x67: {  	_ =	shalt  }
0x68: {  	_ =	shalt  }
0x69: {  	_ =	shalt  }
0x6a: {  	_ =	shalt  }
0x6b: {  	_ =	shalt  }
0x6c: {  	_ =	shalt  }
0x6d: {  	_ =	shalt  }
0x6e: {  	_ =	shalt  }
0x6f: {  	_ =	shalt  }
0x70: {  	_ =	shalt  }
0x71: {  	_ =	shalt  }
0x72: {  	_ =	shalt  }
0x73: {  	_ =	shalt  }
0x74: {  	_ =	shalt  }
0x75: {  	_ =	shalt  }
0x76: {  	_ =	shalt  }
0x77: {  	_ =	shalt  }
0x78: {  	_ =	shalt  }
0x79: {  	_ =	shalt  }
0x7a: {  	_ =	shalt  }
0x7b: {  	_ =	shalt  }
0x7c: {  	_ =	shalt  }
0x7d: {  	_ =	shalt  }
0x7e: {  	_ =	shalt  }
0x7f: {  	_ =	shalt  }
0x80: {  	_ =	shalt  }
0x81: {  	_ =	shalt  }
0x82: {  	_ =	shalt  }
0x83: {  	_ =	shalt  }
0x84: {  	_ =	shalt  }
0x85: {  	_ =	shalt  }
0x86: {  	_ =	shalt  }
0x87: {  	_ =	shalt  }
.Lfunc_end0:
.L_simem_size_0:
called_computation_lowered:
.L_overlay_start_0:
0x88: {  	s2 =	sld [smem:$0x3FD9]  }
0x89: {  	s3 =	sld [smem:$0x3FFE];
	_ =	sdelay $0x1  }
0x8a: {  	s1 =	srdreg.scid  }
0x8b: {  	s0 =	sand.u32 $0x1, s1  }
0x8c: {  	s17 =	sshll.u32 s0, $0xA;
	s2 =	sadd.s32 s3, s2  }
0x8d: {  	s2 =	sadd.s32 s2, s17  }
0x8e: {  	[smem:$0x3FC5] =	sst s2  }
0x8f: {  	_ = 	snop  }
0x90: {  	s2 =	sld [smem:$0x3FC9]  }
0x91: {  	s18 =	sld [smem:$0x3FC8]  }
0x92: {  	s4 =	sld [smem:$0x3FC7];
	(tm) =	ssettm $0x1  }
0x93: {  	s5 =	sld [smem:$0x3FFB];
	_ =	sdelay $0x3  }
0x94: {  	_ =	strace s5  }
0x95: {  	s5 =	sld [smem:$0x3FFC];
	_ =	sdelay $0x3  }
0x96: {  	_ =	strace s5  }
0x97: {  	s5 =	sld [smem:$0x3FFD];
	_ =	sdelay $0x3  }
0x98: {  	_ =	strace s5  }
0x99: {  	_ =	strace $0x8FFFFFFF  }
0x9a: {  	s19 =	sld [smem:$0x3FDB];
	_ =	sdelay $0x1  }
0x9b: {  	s6 =	simm.s32 $_scs_section_size  }
0x9c: {  	s7 =	simm.s32 $_size__tile_overlayer_lowered;
	s8 =	simm.s32 $_tile_overlayer_lowered  }
0x9d: {  	s22 =	simm.s32 $0x1BFF;
	s21 =	sshll.u32 s8, $0x1;
	s5 =	sadd.s32 s6, s19  }
0x9e: {  	s9 =	simm.s32 $0x0;
	s20 =	sshll.u32 s7, $0x1;
	s7 =	sadd.s32 s21, s5  }
0x9f: {  	[timem:s9], [sflag:s22] =	dma.local [hbm:s7], s20  }
0xa0: {  	_ =	swait.ge [sflag:s22], s20  }
0xa1: {  	s6 =	ssub.s32 $0x0, s20;
	[sflag:s22] =	ssyncset.done $0x0  }
0xa2: {  	[sflag:s22] =	ssyncadd.s32 s6;
	_ =	sdelay $0x1  }
0xa3: {  	s23 =	simm.s32 $0x1B8B  }
0xa4: {  	_ =	swait.ge [sflag:s23], $0x1  }
0xa5: {  	[sflag:s23] =	ssyncset.done $0x0  }
0xa6: {  	s25 =	simm.s32 $0x1B8E;
	s24 =	sld [smem:$0x3FFE];
	[sflag:s23] =	ssyncadd.s32 $0xFFFFFFFF  }
0xa7: {  	s26 =	simm.s32 $execute0_lowered;
	[smem:$0x3FD2] =	sst s25  }
0xa8: {  	s7 =	sshll.u32 s26, $0x1;
	_ =	strace $0x80000046;
	[dreg:$0x1] =	wrdreg $0xFFFFFFFF  }
0xa9: {  	s28 =	simm.s32 $_size_execute0_lowered;
	s5 =	sadd.s32 s5, s7;
	[dreg:$0x0] =	wrdreg $0x0  }
0xaa: {  	s7 =	sshll.u32 s28, $0x1;
	[dreg:$0x2] =	wrdreg s5  }
0xab: {  	[dreg:$0x3] =	wrdreg s7  }
0xac: {  	[dreg:$0x4] =	wrdreg $0xC0  }
0xad: {  	_ =	task [dreg:s9], $0x5FFFF  }
0xae: {  	[dreg:$0x1] =	wrdreg $0xFFFFFFFF  }
0xaf: {  	[dreg:$0x0] =	wrdreg $0x60  }
0xb0: {  	[dreg:$0x2] =	wrdreg s2  }
0xb1: {  	[dreg:$0x3] =	wrdreg s18  }
0xb2: {  	[dreg:$0x4] =	wrdreg s4  }
0xb3: {  	[dreg:$0x5] =	wrdreg s24  }
0xb4: {  	[dreg:$0x6] =	wrdreg $0xD5000  }
0xb5: {  	[dreg:$0x7] =	wrdreg $0x9  }
0xb6: {  	_ =	task.clear_ibuf [dreg:s9], $0x8FFFF;
	_ =	strace $0x90000046  }
0xb7: {  	s29 =	simm.s32 $0x9;
	_ =	strace $0x80000048  }
0xb8: {  	_ =	swait.ge [sflag:s29], $0x1  }
0xb9: {  	[sflag:s29] =	ssyncadd.s32 $0xFFFFFFFF  }
0xba: {  	_ =	strace $0x90000048  }
0xbb: {  	_ =	sfence  }
0xbc: {  	s30 =	sld [smem:$0x0];
	_ =	sdelay $0x2  }
0xbd: {  	s31 =	sshll.u32 s1, $0xD;
	s1 =	sshrl.u32 s1, $0x2  }
0xbe: {  	s3 =	sand.u32 $0x4000, s31;
	s1 =	sadd.s32 s1, s30  }
0xbf: {  	s0 =	sor.u32 s3, s0;
	s1 =	sshll.u32 s1, $0x11  }
0xc0: {  	s0 =	sor.u32 s1, s0  }
0xc1: {  	s0 =	sadd.s32 $0x8F2B, s0  }
0xc2: {  	[sflag:s0] =	ssyncadd.remote.s32 $0x1  }
0xc3: {  	_ =	sfence.sel $0xFFFF  }
0xc4: {  	[dreg:$0x0] =	wrdreg $0xFFFFFFFF;
	(pc) =	sbr.abs _section_cstart, $3  }
0xc5: {  	[dreg:$0x1] =	wrdreg $0xFFFFFFFF  }
0xc6: {  	_ =	task.clear_ibuf [dreg:s9], $0x2FFFF;
	_ =	strace $0x9FFFFFFF  }
0xc7: {  	(tm) =	ssettm $0x7FFFFFFF  }
tec
execute0_lowered:
.L_overlay_start_1:
0x0: {  	(tag) =	ssettag $0x1  }
0x1: {  	s0 =	rddreg [dreg:$0x0]  }
0x2: {  	s1 =	rddreg [dreg:$0x1];
	s2 =	srdreg.scid  }
0x3: {  	s5 =	rddreg [dreg:$0x2];
	s22 =	stileid.u32  }
0x4: {  	s4 =	rddreg [dreg:$0x3];
	s28 =	simm.s32 $0x1400;
	s29 =	simm.s32 $0x5  }
0x5: {  	s30 =	simm.s32 $0x2080;
	s31 =	simm.s32 $0xCD00;
	s7 =	smul.u32 $0x3800, s22  }
0x6: {  	s16 =	sand.u32 $0x1, s2;
	s3 =	sshll.u32 s22, $0x1;
	s12 =	smul.u32 $0xE000, s22  }
0x7: {  	s2 =	rddreg [dreg:$0x4];
	p0 =	seq.s32 s22, $0x0;
	s24 =	smul.u32 $0x18600, s22  }
0x8: {  	s6 =	smul.u32 $0x38000, s16;
	s8 =	sor.u32 s16, s3;
	s25 =	ssub.s32 $0x2, s16  }
0x9: {  	s3 =	simm.s32 $0x0;
	s9 =	smul.u32 $0x27, s8;
	s26 =	sshrl.u32 s25, $0x1  }
0xa: {  	s17 =	smin.u32 s8, $0x2;
	s21 =	ssub.s32 s25, s26;
	s25 =	smul.u32 $0xC300, s16  }
0xb: {  	[smem:$0x7FF] =	sst s3;
	s26 =	smul.u32 $0x500, s17;
	s8 =	sadd.s32 s17, s9  }
0xc: {  	s23 =	sshrl.u32 s12, $0x2;
	s6 =	sadd.s32 s7, s6;
	s10 =	smul.u32 $0x2800, s8  }
0xd: {  	_ =	strace $0x80000047;
	s6 =	sshrl.u32 s6, $0x3;
	s9 =	smul.u32 $0x500, s8  }
0xe: {  	s20 =	sadd.s32 s6, s4;
	s4 =	simm.s32 $0x28;
	s8 =	smul.u32 $0x50, s8  }
0xf: {  	s21 =	smax.u32 s21, $0x1;
	s4 =	simm.s32 @!p0 $0x27;
	s20 =	sadd.s32 $0x800, s20  }
0x10: {  	s10 =	sshrl.u32 s10, $0x3;
	s6 =	sadd.s32 s0, s9;
	s15 =	sshrl.u32 s8, $0x3  }
0x11: {  	s11 =	sadd.s32 s0, s10;
	[dreg:$0x6] =	wrdreg s6;
	s19 =	sadd.s32 s1, s15  }
0x12: {  	p0 =	sne.s32 s22, $0x0;
	s13 =	sadd.s32 $0x500, s11;
	[dreg:$0xa] =	wrdreg s19  }
0x13: {  	s10 =	sadd.s32 s5, s15;
	s14 =	sadd.s32 $0xA00, s11;
	[dreg:$0x7] =	wrdreg s13  }
0x14: {  	s0 =	sadd.s32 s24, s0;
	s18 =	sadd.s32 $0xF00, s11;
	[dreg:$0x8] =	wrdreg s14  }
0x15: {  	s0 =	sadd.s32 s25, s0;
	[dreg:$0x9] =	wrdreg s18;
	s13 =	sadd.s32 $0x186, s15  }
0x16: {  	s0 =	sadd.s32 s26, s0;
	s11 =	sadd.s32 s1, s13;
	s12 =	sadd.s32 s5, s13  }
0x17: {  	s13 =	sadd.s32 s23, s2;
	s26 =	sadd.s32 $0x1400, s0;
	s1 =	simm.s32 $0x0  }
0x18: {  	s14 =	sadd.s32 $0x800, s13;
	s15 =	sadd.s32 $0x1000, s13;
	s16 =	sadd.s32 $0x1800, s13  }
0x19: {  	v0 =	vimm.f32 $0.0e+00;
	s17 =	sadd.s32 $0x2000, s13;
	s18 =	sadd.s32 $0x2800, s13;
	s19 =	sadd.s32 $0x3000, s13  }
.LBB2_1:
0x1a: {  	s0 =	rddreg [dreg:$0x6];
	s5 =	simm.s32 $0x2D00  }
0x1b: {  	[tilespmem:s5], [sflag:$0x1] =	stream.linear.gather [hbm4b:s0+s3], $0x2800, $0x38;
	[tilespmem:$0x10D00] =	vst v63  }
0x1c: {  	s24 =	rddreg [dreg:$0x7];
	s25 =	simm.s32 $0x5500  }
0x1d: {  	[tilespmem:s25], [sflag:$0x2] =	stream.linear.gather [hbm4b:s24+s3], $0x2800, $0x38;
	[tilespmem:$0x10D00] =	vst v63  }
0x1e: {  	s6 =	rddreg [dreg:$0x8];
	s7 =	simm.s32 $0x7D00  }
0x1f: {  	[tilespmem:s7], [sflag:$0x3] =	stream.linear.gather [hbm4b:s6+s3], $0x2800, $0x38;
	[tilespmem:$0x10D00] =	vst v63  }
0x20: {  	s8 =	rddreg [dreg:$0x9];
	s9 =	simm.s32 $0xA500  }
0x21: {  	[tilespmem:s9], [sflag:$0x4] =	stream.linear.gather [hbm4b:s8+s3], $0x2800, $0x38;
	[tilespmem:$0x10D00] =	vst v63  }
0x22: {  	s22 =	rddreg [dreg:$0xa]  }
0x23: {  	[tilespmem:s28], [sflag:$0x5] =	stream.linear.gather [hbm4b:s22+s3], $0xC30, $0x38;
	[tilespmem:$0x10D00] =	vst v63  }
0x24: {  	_ =	swait.ge [sflag:s29], $0xC30  }
0x25: {  	[sflag:s29] =	ssyncset.done $0x0  }
0x26: {  	[sflag:s29] =	ssyncadd.s32 $0xFFFFF3D0  }
0x27: {  	[tilespmem:s30], [sflag:$0x5] =	stream.linear.gather [hbm4b:s10+s3], $0xC30, $0x38;
	[tilespmem:$0x10D00] =	vst v63  }
0x28: {  	_ =	swait.ge [sflag:s29], $0xC30  }
0x29: {  	[sflag:s29] =	ssyncset.done $0x0  }
0x2a: {  	s0 =	simm.s32 @!p0 $0x0;
	s5 =	simm.s32 @!p0 $0x2030;
	[sflag:s29] =	ssyncadd.s32 $0xFFFFF3D0  }
0x2b: {  	[tilespmem:s5], [sflag:$0x5] =	stream.linear.gather @!p0 [hbm4b:s11+s0], $0x50, $0x38;
	[tilespmem:$0x10D00] =	vst v63  }
0x2c: {  	s5 =	simm.s32 @!p0 $0x5  }
0x2d: {  	_ =	swait.ge @!p0 [sflag:s5], $0x50  }
0x2e: {  	[sflag:s5] =	ssyncset.done @!p0 $0x0  }
0x2f: {  	s22 =	simm.s32 @!p0 $0x2CB0;
	[sflag:s5] =	ssyncadd.s32 @!p0 $0xFFFFFFB0  }
0x30: {  	[tilespmem:s22], [sflag:$0x5] =	stream.linear.gather @!p0 [hbm4b:s12+s0], $0x50, $0x38;
	[tilespmem:$0x10D00] =	vst v63  }
0x31: {  	_ =	swait.ge @!p0 [sflag:s5], $0x50  }
0x32: {  	s23 =	smul.u32 $0xCD, s3;
	[sflag:s5] =	ssyncset.done @!p0 $0x0  }
0x33: {  	[sflag:s5] =	ssyncadd.s32 @!p0 $0xFFFFFFB0  }
0x34: {  	s24 =	sshrl.u32 s23, $0xA;
	v1 =	vld [tilespmem:s28+$0x0]  }
0x35: {  	s5 =	sand.u32 $0x3F, s24  }
0x36: {  	v2 =	vld [tilespmem:s30+$0x0];
	s5 =	smul.u32 $0x5, s5;
	_ =	sdelay $0x1  }
0x37: {  	s25 =	sshrl.u32 s23, $0x3;
	s5 =	ssub.s32 $0x0, s5  }
0x38: {  	s23 =	sand.u32 $0x1F80, s25;
	s0 =	simm.s32 $0x1;
	s5 =	sand.u32 $0xFF, s5;
	v1 =	vmul.u32 $0x7, v1  }
0x39: {  	s25 =	simm.s32 $0x1400;
	s22 =	smul.u32 $0xCD, s0;
	s5 =	sshll.u32 s5, $0x4  }
0x3a: {  	s24 =	simm.s32 $0x2;
	s5 =	sor.u32 s5, s23;
	s23 =	simm.s32 $0x2080;
	v1 =	vadd.s32 v2, v1  }
.LBB2_2:
0x3b: {  	p1 =	sne.s32 s24, $0xC2;
	[tilespmem:s5+$0x0] =	vst v1;
	s25 =	sadd.s32 $0x10, s25  }
0x3c: {  	v1 =	vld [tilespmem:s25+$0x0];
	s5 =	sshrl.u32 s22, $0xA  }
0x3d: {  	s23 =	sadd.s32 $0x10, s23;
	s5 =	sand.u32 $0x3F, s5  }
0x3e: {  	v2 =	vld [tilespmem:s23+$0x0];
	s5 =	smul.u32 $0x5, s5  }
.Ltmp0:
0x3f: {  	(pc) =	sbr.rel @p1 .LBB2_2-.Ltmp0, $4  }
0x40: {  	s5 =	ssub.s32 s0, s5;
	s0 =	smov.u32 s24  }
0x41: {  	s22 =	sshrl.u32 s22, $0x3;
	v1 =	vmul.u32 $0x7, v1;
	s5 =	sand.u32 $0xFF, s5  }
0x42: {  	s6 =	sand.u32 $0x1F80, s22;
	s5 =	sshll.u32 s5, $0x4  }
0x43: {  	s24 =	sadd.s32 $0x1, s24;
	s22 =	smul.u32 $0xCD, s0;
	v1 =	vadd.s32 v2, v1;
	s5 =	sor.u32 s5, s6  }
0x44: {  	[tilespmem:s5+$0x0] =	vst v1;
	s8 =	sadd.s32 $0x10, s25  }
0x45: {  	v1 =	vld [tilespmem:s8+$0x0];
	s9 =	sshrl.u32 s22, $0xA  }
0x46: {  	s6 =	sadd.s32 $0x10, s23;
	s5 =	sand.u32 $0x3F, s9  }
0x47: {  	v2 =	vld [tilespmem:s6+$0x0];
	s5 =	smul.u32 $0x5, s5;
	_ =	sdelay $0x1  }
0x48: {  	s0 =	ssub.s32 s0, s5  }
0x49: {  	s22 =	sshrl.u32 s22, $0x3;
	v1 =	vmul.u32 $0x7, v1;
	s0 =	sand.u32 $0xFF, s0  }
0x4a: {  	s5 =	sand.u32 $0x1F80, s22;
	s0 =	sshll.u32 s0, $0x4  }
0x4b: {  	v1 =	vadd.s32 v2, v1;
	s0 =	sor.u32 s0, s5  }
0x4c: {  	[tilespmem:s0+$0x0] =	vst v1  }
0x4d: {  	v1 =	vld @!p0 [tilespmem:$0x2030]  }
0x4e: {  	v2 =	vld @!p0 [tilespmem:$0x2CB0]  }
0x4f: {  	v3 =	vld @!p0 [tilespmem:$0x2040]  }
0x50: {  	v4 =	vld @!p0 [tilespmem:$0x2CC0]  }
0x51: {  	v5 =	vld @!p0 [tilespmem:$0x2050]  }
0x52: {  	v6 =	vld @!p0 [tilespmem:$0x2CD0]  }
0x53: {  	v7 =	vld @!p0 [tilespmem:$0x2060]  }
0x54: {  	v8 =	vld @!p0 [tilespmem:$0x2070]  }
0x55: {  	v9 =	vld @!p0 [tilespmem:$0x2CE0];
	v1 =	vmul.u32 @!p0 $0x7, v1  }
0x56: {  	v10 =	vld @!p0 [tilespmem:$0x2CF0];
	v3 =	vmul.u32 @!p0 $0x7, v3  }
0x57: {  	v1 =	vadd.s32 @!p0 v2, v1;
	v2 =	vmul.u32 @!p0 $0x7, v5  }
0x58: {  	[tilespmem:$0x1380] =	vst @!p0 v1;
	v1 =	vadd.s32 @!p0 v4, v3;
	v3 =	vmul.u32 @!p0 $0x7, v7  }
0x59: {  	s0 =	simm.s32 $0x0;
	[tilespmem:$0x1390] =	vst @!p0 v1;
	v1 =	vadd.s32 @!p0 v6, v2;
	v2 =	vmul.u32 @!p0 $0x7, v8  }
0x5a: {  	s23 =	sand.u32 $0x1E00, s0;
	[tilespmem:$0x13A0] =	vst @!p0 v1;
	v1 =	vadd.s32 @!p0 v9, v3  }
0x5b: {  	s24 =	sand.u32 $0x70, s0;
	s25 =	sshrl.u32 s23, $0x2;
	[tilespmem:$0x13B0] =	vst @!p0 v1;
	v1 =	vadd.s32 @!p0 v10, v2  }
0x5c: {  	s5 =	simm.s32 $0x40;
	s22 =	sor.u32 s24, s25;
	[tilespmem:$0x13C0] =	vst @!p0 v1  }
.LBB2_4:
0x5d: {  	p1 =	sne.s32 s5, $0x1FC0  }
0x5e: {  	[tilespmem:s22+$0xCD00] =	vst v0;
	s0 =	sadd.s32 $0x10, s0;
	s6 =	smov.u32 s5;
	s5 =	sadd.s32 $0x40, s5  }
.Ltmp1:
0x5f: {  	(pc) =	sbr.rel @p1 .LBB2_4-.Ltmp1, $4  }
0x60: {  	_ = 	snop  }
0x61: {  	s6 =	sand.u32 $0x1E00, s6  }
0x62: {  	s22 =	sand.u32 $0x70, s0;
	s6 =	sshrl.u32 s6, $0x2  }
0x63: {  	s22 =	sor.u32 s22, s6  }
0x64: {  	[tilespmem:s22+$0xCD00] =	vst v0  }
0x65: {  	[spmem:s13] =	stream.linear.scatter [tilespmem:s31], [sflag:$0x5], $0x800, $0x38;
	[tilespmem:$0x10D00] =	vst v63  }
0x66: {  	_ =	swait.ge [sflag:s29], $0x800  }
0x67: {  	[sflag:s29] =	ssyncset.done $0x0  }
0x68: {  	[sflag:s29] =	ssyncadd.s32 $0xFFFFF800  }
0x69: {  	[spmem:s14] =	stream.linear.scatter [tilespmem:s31], [sflag:$0x5], $0x800, $0x38;
	[tilespmem:$0x10D00] =	vst v63  }
0x6a: {  	_ =	swait.ge [sflag:s29], $0x800  }
0x6b: {  	[sflag:s29] =	ssyncset.done $0x0  }
0x6c: {  	[sflag:s29] =	ssyncadd.s32 $0xFFFFF800  }
0x6d: {  	[spmem:s15] =	stream.linear.scatter [tilespmem:s31], [sflag:$0x5], $0x800, $0x38;
	[tilespmem:$0x10D00] =	vst v63  }
0x6e: {  	_ =	swait.ge [sflag:s29], $0x800  }
0x6f: {  	[sflag:s29] =	ssyncset.done $0x0  }
0x70: {  	[sflag:s29] =	ssyncadd.s32 $0xFFFFF800  }
0x71: {  	[spmem:s16] =	stream.linear.scatter [tilespmem:s31], [sflag:$0x5], $0x800, $0x38;
	[tilespmem:$0x10D00] =	vst v63  }
0x72: {  	_ =	swait.ge [sflag:s29], $0x800  }
0x73: {  	[sflag:s29] =	ssyncset.done $0x0  }
0x74: {  	[sflag:s29] =	ssyncadd.s32 $0xFFFFF800  }
0x75: {  	[spmem:s17] =	stream.linear.scatter [tilespmem:s31], [sflag:$0x5], $0x800, $0x38;
	[tilespmem:$0x10D00] =	vst v63  }
0x76: {  	_ =	swait.ge [sflag:s29], $0x800  }
0x77: {  	[sflag:s29] =	ssyncset.done $0x0  }
0x78: {  	[sflag:s29] =	ssyncadd.s32 $0xFFFFF800  }
0x79: {  	[spmem:s18] =	stream.linear.scatter [tilespmem:s31], [sflag:$0x5], $0x800, $0x38;
	[tilespmem:$0x10D00] =	vst v63  }
0x7a: {  	_ =	swait.ge [sflag:s29], $0x800  }
0x7b: {  	[sflag:s29] =	ssyncset.done $0x0  }
0x7c: {  	[sflag:s29] =	ssyncadd.s32 $0xFFFFF800  }
0x7d: {  	[spmem:s19] =	stream.linear.scatter [tilespmem:s31], [sflag:$0x5], $0x800, $0x38;
	[tilespmem:$0x10D00] =	vst v63  }
0x7e: {  	_ =	swait.ge [sflag:s29], $0x800  }
0x7f: {  	[sflag:s29] =	ssyncset.done $0x0  }
0x80: {  	p2 =	sle.u32 s4, $0x0;
	[sflag:s29] =	ssyncadd.s32 $0xFFFFF800  }
0x81: {  	s0 =	simm.s32 @!p2 $0x1;
	[bflag:$0x0] =	sbarrier.arrive $0xFFFF  }
0x82: {  	s5 =	simm.s32 $0x0;
	_ =	swait.ge @!p2 [sflag:s0], $0x2800  }
0x83: {  	p1 =	sle.u32 @!p2 s4, $0x4;
	s6 =	simm.s32 @!p2 $0x5;
	[sflag:s0] =	ssyncset.done @!p2 $0x0  }
0x84: {  	s22 =	simm.s32 @!p2 $0x50;
	s23 =	simm.s32 @!p2 $0x2D00;
	[sflag:s0] =	ssyncadd.s32 @!p2 $0xFFFFD800  }
0x85: {  	[spmem:s2] =	stream.indirect.scatter.add.f32 @!p2 [tilespmem:s23], [sflag:$0x5], $0x80, s5, s22, $0xb8;
	[tilespmem:$0x10D00] =	vst v63  }
0x86: {  	p3 =	por p1, p2;
	_ =	swait.ge @!p2 [sflag:s6], $0x2800  }
0x87: {  	p1 =	sle.u32 s4, $0x1;
	s0 =	simm.s32 @!p3 $0x2D00;
	[sflag:s6] =	ssyncset.done @!p2 $0x0  }
0x88: {  	s5 =	simm.s32 @!p3 $0x0;
	[sflag:s6] =	ssyncadd.s32 @!p2 $0xFFFFD800;
	s6 =	simm.s32 @!p1 $0x2  }
0x89: {  	[tilespmem:s0], [sflag:$0x1] =	stream.linear.gather @!p3 [hbm4b:s26+s5], $0x2800, $0x38;
	[tilespmem:$0x10D00] =	vst v63  }
0x8a: {  	s22 =	simm.s32 @!p1 $0x50;
	_ =	swait.ge @!p1 [sflag:s6], $0x2800  }
0x8b: {  	p2 =	sle.u32 @!p1 s4, $0x5;
	s0 =	simm.s32 @!p1 $0x5500;
	[sflag:s6] =	ssyncset.done @!p1 $0x0  }
0x8c: {  	s5 =	simm.s32 @!p1 $0x80;
	[sflag:s6] =	ssyncadd.s32 @!p1 $0xFFFFD800;
	s6 =	simm.s32 @!p1 $0x5  }
0x8d: {  	[spmem:s2] =	stream.indirect.scatter.add.f32 @!p1 [tilespmem:s0], [sflag:$0x5], $0x80, s5, s22, $0xb8;
	[tilespmem:$0x10D00] =	vst v63  }
0x8e: {  	p3 =	por p2, p1;
	p2 =	sle.u32 s4, $0x2;
	_ =	swait.ge @!p1 [sflag:s6], $0x2800  }
0x8f: {  	s0 =	simm.s32 @!p3 $0x5500;
	s5 =	sadd.s32 @!p3 $0x500, s26;
	[sflag:s6] =	ssyncset.done @!p1 $0x0  }
0x90: {  	s22 =	simm.s32 @!p2 $0x3;
	[sflag:s6] =	ssyncadd.s32 @!p1 $0xFFFFD800;
	s6 =	simm.s32 @!p3 $0x0  }
0x91: {  	[tilespmem:s0], [sflag:$0x2] =	stream.linear.gather @!p3 [hbm4b:s5+s6], $0x2800, $0x38;
	[tilespmem:$0x10D00] =	vst v63  }
0x92: {  	p1 =	sle.u32 @!p2 s4, $0x6;
	_ =	swait.ge @!p2 [sflag:s22], $0x2800  }
0x93: {  	s0 =	simm.s32 @!p2 $0x7D00;
	s5 =	simm.s32 @!p2 $0x100;
	[sflag:s22] =	ssyncset.done @!p2 $0x0  }
0x94: {  	s6 =	simm.s32 @!p2 $0x50;
	[sflag:s22] =	ssyncadd.s32 @!p2 $0xFFFFD800;
	s22 =	simm.s32 @!p2 $0x5  }
0x95: {  	[spmem:s2] =	stream.indirect.scatter.add.f32 @!p2 [tilespmem:s0], [sflag:$0x5], $0x80, s5, s6, $0xb8;
	[tilespmem:$0x10D00] =	vst v63  }
0x96: {  	p3 =	por p1, p2;
	_ =	swait.ge @!p2 [sflag:s22], $0x2800  }
0x97: {  	p1 =	sle.u32 s4, $0x3;
	s0 =	sadd.s32 @!p3 $0xA00, s26;
	[sflag:s22] =	ssyncset.done @!p2 $0x0  }
0x98: {  	s5 =	simm.s32 @!p3 $0x0;
	s6 =	simm.s32 @!p3 $0x7D00;
	[sflag:s22] =	ssyncadd.s32 @!p2 $0xFFFFD800  }
0x99: {  	[tilespmem:s6], [sflag:$0x3] =	stream.linear.gather @!p3 [hbm4b:s0+s5], $0x2800, $0x38;
	[tilespmem:$0x10D00] =	vst v63  }
0x9a: {  	s0 =	simm.s32 @!p1 $0x4  }
0x9b: {  	s24 =	sadd.s32 $0x1400, s26;
	_ =	swait.ge @!p1 [sflag:s0], $0x2800  }
0x9c: {  	s25 =	simm.s32 $0x200;
	s22 =	simm.s32 @!p1 $0x50;
	[sflag:s0] =	ssyncset.done @!p1 $0x0  }
0x9d: {  	s5 =	simm.s32 @!p1 $0xA500;
	s6 =	simm.s32 @!p1 $0x180;
	[sflag:s0] =	ssyncadd.s32 @!p1 $0xFFFFD800  }
0x9e: {  	[spmem:s2] =	stream.indirect.scatter.add.f32 @!p1 [tilespmem:s5], [sflag:$0x5], $0x80, s6, s22, $0xb8;
	[tilespmem:$0x10D00] =	vst v63  }
0x9f: {  	s23 =	simm.s32 $0x4;
	p2 =	sle.u32 @!p1 s4, $0x7;
	s5 =	simm.s32 @!p1 $0x5  }
0xa0: {  	p3 =	por p2, p1;
	s22 =	smov.u32 s26;
	_ =	swait.ge @!p1 [sflag:s5], $0x2800  }
.LBB2_6:
0xa1: {  	p2 =	sge.u32 s23, s4;
	[sflag:s5] =	ssyncset.done @!p1 $0x0  }
0xa2: {  	s6 =	sadd.s32 @!p3 $0xF00, s22;
	s0 =	smov.u32 s23;
	s22 =	smov.u32 s24  }
0xa3: {  	s9 =	simm.s32 @!p3 $0xA500;
	s7 =	simm.s32 @!p2 $0x1;
	s8 =	sadd.s32 @!p2 $0x4, s23  }
0xa4: {  	p4 =	sge.u32 @!p2 s8, s4;
	[sflag:s5] =	ssyncadd.s32 @!p1 $0xFFFFD800;
	s5 =	simm.s32 @!p3 $0x0  }
0xa5: {  	[tilespmem:s9], [sflag:$0x4] =	stream.linear.gather @!p3 [hbm4b:s6+s5], $0x2800, $0x38;
	[tilespmem:$0x10D00] =	vst v63  }
0xa6: {  	s5 =	simm.s32 @!p2 $0x5;
	p3 =	por p4, p2;
	_ =	swait.ge @!p2 [sflag:s7], $0x2800  }
0xa7: {  	s8 =	simm.s32 @!p2 $0x2D00;
	s6 =	simm.s32 @!p2 $0x50;
	[sflag:s7] =	ssyncset.done @!p2 $0x0  }
0xa8: {  	s24 =	sadd.s32 $0x1400, s24;
	s23 =	sadd.s32 $0x4, s23;
	[sflag:s7] =	ssyncadd.s32 @!p2 $0xFFFFD800  }
0xa9: {  	[spmem:s2] =	stream.indirect.scatter.add.f32 @!p2 [tilespmem:s8], [sflag:$0x5], $0x80, s25, s6, $0xb8;
	[tilespmem:$0x10D00] =	vst v63  }
0xaa: {  	s7 =	sadd.s32 $0x1, s0;
	s6 =	simm.s32 @!p3 $0x2D00;
	_ =	swait.ge @!p2 [sflag:s5], $0x2800  }
0xab: {  	s8 =	simm.s32 @!p3 $0x0;
	p1 =	sge.u32 s7, s4;
	[sflag:s5] =	ssyncset.done @!p2 $0x0  }
0xac: {  	s7 =	sadd.s32 @!p1 $0x5, s0;
	[sflag:s5] =	ssyncadd.s32 @!p2 $0xFFFFD800;
	s5 =	simm.s32 @!p1 $0x2  }
0xad: {  	[tilespmem:s6], [sflag:$0x1] =	stream.linear.gather @!p3 [hbm4b:s22+s8], $0x2800, $0x38;
	[tilespmem:$0x10D00] =	vst v63  }
0xae: {  	p2 =	sge.u32 @!p1 s7, s4;
	s6 =	simm.s32 @!p1 $0x5500;
	_ =	swait.ge @!p1 [sflag:s5], $0x2800  }
0xaf: {  	s7 =	sadd.s32 @!p1 $0x80, s25;
	s8 =	simm.s32 @!p1 $0x50;
	[sflag:s5] =	ssyncset.done @!p1 $0x0  }
0xb0: {  	p3 =	por p2, p1;
	[sflag:s5] =	ssyncadd.s32 @!p1 $0xFFFFD800;
	s5 =	simm.s32 @!p1 $0x5  }
0xb1: {  	[spmem:s2] =	stream.indirect.scatter.add.f32 @!p1 [tilespmem:s6], [sflag:$0x5], $0x80, s7, s8, $0xb8;
	[tilespmem:$0x10D00] =	vst v63  }
0xb2: {  	s6 =	simm.s32 @!p3 $0x5500;
	s7 =	sadd.s32 $0x2, s0;
	_ =	swait.ge @!p1 [sflag:s5], $0x2800  }
0xb3: {  	s8 =	sadd.s32 @!p3 $0x500, s22;
	p2 =	sge.u32 s7, s4;
	[sflag:s5] =	ssyncset.done @!p1 $0x0  }
0xb4: {  	s7 =	simm.s32 @!p2 $0x3;
	[sflag:s5] =	ssyncadd.s32 @!p1 $0xFFFFD800;
	s5 =	simm.s32 @!p3 $0x0  }
0xb5: {  	[tilespmem:s6], [sflag:$0x2] =	stream.linear.gather @!p3 [hbm4b:s8+s5], $0x2800, $0x38;
	[tilespmem:$0x10D00] =	vst v63  }
0xb6: {  	s5 =	simm.s32 @!p2 $0x7D00;
	s6 =	sadd.s32 @!p2 $0x6, s0;
	_ =	swait.ge @!p2 [sflag:s7], $0x2800  }
0xb7: {  	s9 =	simm.s32 @!p2 $0x50;
	s8 =	sadd.s32 @!p2 $0x100, s25;
	[sflag:s7] =	ssyncset.done @!p2 $0x0  }
0xb8: {  	p1 =	sge.u32 @!p2 s6, s4;
	[sflag:s7] =	ssyncadd.s32 @!p2 $0xFFFFD800;
	s7 =	simm.s32 @!p2 $0x5  }
0xb9: {  	[spmem:s2] =	stream.indirect.scatter.add.f32 @!p2 [tilespmem:s5], [sflag:$0x5], $0x80, s8, s9, $0xb8;
	[tilespmem:$0x10D00] =	vst v63  }
0xba: {  	p3 =	por p1, p2;
	s5 =	sadd.s32 $0x3, s0;
	_ =	swait.ge @!p2 [sflag:s7], $0x2800  }
0xbb: {  	s6 =	sadd.s32 @!p3 $0xA00, s22;
	p1 =	sge.u32 s5, s4;
	[sflag:s7] =	ssyncset.done @!p2 $0x0  }
0xbc: {  	s5 =	simm.s32 @!p3 $0x0;
	[sflag:s7] =	ssyncadd.s32 @!p2 $0xFFFFD800;
	s7 =	simm.s32 @!p3 $0x7D00  }
0xbd: {  	[tilespmem:s7], [sflag:$0x3] =	stream.linear.gather @!p3 [hbm4b:s6+s5], $0x2800, $0x38;
	[tilespmem:$0x10D00] =	vst v63  }
0xbe: {  	s0 =	sadd.s32 @!p1 $0x7, s0;
	p2 =	sne.s32 s23, $0x28;
	s5 =	simm.s32 @!p1 $0x4  }
.Ltmp2:
0xbf: {  	s6 =	simm.s32 @!p1 $0xA500;
	_ =	swait.ge @!p1 [sflag:s5], $0x2800;
	(pc) =	sbr.rel @p2 .LBB2_6-.Ltmp2, $4  }
0xc0: {  	s8 =	simm.s32 @!p1 $0x50;
	s7 =	sadd.s32 @!p1 $0x180, s25;
	[sflag:s5] =	ssyncset.done @!p1 $0x0  }
0xc1: {  	p3 =	sge.u32 @!p1 s0, s4;
	[sflag:s5] =	ssyncadd.s32 @!p1 $0xFFFFD800;
	s5 =	simm.s32 @!p1 $0x5  }
0xc2: {  	[spmem:s2] =	stream.indirect.scatter.add.f32 @!p1 [tilespmem:s6], [sflag:$0x5], $0x80, s7, s8, $0xb8;
	[tilespmem:$0x10D00] =	vst v63  }
0xc3: {  	s25 =	sadd.s32 $0x200, s25;
	p3 =	por p3, p1;
	_ =	swait.ge @!p1 [sflag:s5], $0x2800  }
0xc4: {  	[sflag:s5] =	ssyncset.done @!p1 $0x0  }
0xc5: {  	s0 =	sadd.s32 @!p3 $0xF00, s22;
	s6 =	simm.s32 @!p3 $0xA500;
	s24 =	stileid.u32  }
0xc6: {  	s1 =	sadd.s32 $0x1, s1;
	[sflag:s5] =	ssyncadd.s32 @!p1 $0xFFFFD800;
	s5 =	simm.s32 @!p3 $0x0  }
0xc7: {  	[tilespmem:s6], [sflag:$0x4] =	stream.linear.gather @!p3 [hbm4b:s0+s5], $0x2800, $0x38;
	[tilespmem:$0x10D00] =	vst v63  }
0xc8: {  	s25 =	sshrl.u32 s13, $0x3;
	p1 =	sne.s32 s1, s21;
	s0 =	sshll.u32 s24, $0x6  }
.Ltmp3:
0xc9: {  	[bflag:$0x0] =	sbarrier.arrive $0xFFFF;
	s0 =	sor.u32 $0x1C05, s0;
	(pc) =	sbr.rel @p1 .LBB2_1-.Ltmp3, $4  }
0xca: {  	[hbm:s20], [sflag:s0] =	dma.local [spmem:s25], $0x700  }
0xcb: {  	_ =	swait.ge [sflag:s29], $0x700  }
0xcc: {  	[sflag:s29] =	ssyncset.done $0x0  }
0xcd: {  	[sflag:s29] =	ssyncadd.s32 $0xFFFFF900  }
0xce: {  	_ =	sfence.sel $0x180000  }
0xcf: {  	[bflag:$0x0] =	sbarrier.arrive $0xFFFF  }
0xd0: {  	_ =	strace $0x90000047  }
0xd1: {  	[bflag:$0x2] =	sbarrier.arrive $0xFFFF  }
0xd2: {  	s0 =	rddreg [dreg:$0x5]  }
0xd3: {  	s0 =	sadd.s32 @!p0 $0x100000, s0  }
0xd4: {  	[sflag:s0] =	ssyncadd.tile.s32 @!p0 $0x1;
	_ =	shalt  }
.Lfunc_end2:
_tile_overlayer_lowered:
.L_overlay_start_2:
0xd5: {  	(tag) =	ssettag $0x2  }
0xd6: {  	s0 =	rddreg [dreg:$0x0];
	s2 =	stileid.u32  }
0xd7: {  	s1 =	rddreg [dreg:$0x1];
	p0 =	sne.s32 s2, $0x0  }
0xd8: {  	s3 =	rddreg [dreg:$0x2];
	[bflag:$0x3] =	sbarrier.arrive $0xFFFF;
	s2 =	simm.s32 @!p0 $0x1C05  }
0xd9: {  	[timem:s3], [sflag:s2] =	dma.local @!p0 [hbm:s0], s1  }
0xda: {  	s0 =	simm.s32 @!p0 $0x5  }
0xdb: {  	_ =	swait.ge @!p0 [sflag:s0], s1  }
0xdc: {  	s1 =	ssub.s32 @!p0 $0x0, s1;
	[sflag:s0] =	ssyncset.done @!p0 $0x0  }
0xdd: {  	[sflag:s0] =	ssyncadd.s32 @!p0 s1  }
0xde: {  	[bflag:$0x3] =	sbarrier.arrive $0xFFFF  }
0xdf: {  	_ =	shalt  }

</sc_bundles>
